<compile_context>
chip_gen: v7x
topology: tpu7x:2x2x1
jax: 0.10.2.dev20260603
libtpu: 0.0.44.dev20260713+nightly
codegen_flags: <defaults>
</compile_context>

<pallas_src>
import functools

import jax
import jax.numpy as jnp
from jax import lax
from jax.experimental import pallas as pl
from jax.experimental.pallas import tpu as pltpu
from jax.experimental.pallas import tpu_sc as plsc

EMBED = 128
HID = 64
NODES = 10000
EDGES = 320000

_info = plsc.get_sparse_core_info()
_NC = _info.num_cores
_NS = _info.num_subcores
NW = _NC * _NS
EPW = EDGES // NW
CHUNK = 80
NCHUNK = EPW // CHUNK



def _tables_body(z_ref, w1_ref, b1_ref, hs_ref, hd_ref):
    z = z_ref[...]
    w1 = w1_ref[...]
    hs = lax.dot_general(z, w1[:, :EMBED], (((1,), (1,)), ((), ())),
                         preferred_element_type=jnp.float32)
    hd = lax.dot_general(z, w1[:, EMBED:], (((1,), (1,)), ((), ())),
                         preferred_element_type=jnp.float32)
    hs_ref[...] = hs
    hd_ref[...] = hd + b1_ref[...]


_tables = pl.pallas_call(
    _tables_body,
    out_shape=(
        jax.ShapeDtypeStruct((NODES, HID), jnp.float32),
        jax.ShapeDtypeStruct((NODES, HID), jnp.float32),
    ),
)



def _sc_body(hs_hbm, hd_hbm, src_hbm, dst_hbm, w2e_hbm, out_hbm,
             idx_s, idx_d, rows_s, rows_d, out_v, w2v, tbuf, sem):
    wid = lax.axis_index("s") * _NC + lax.axis_index("c")
    base = wid * EPW
    pltpu.sync_copy(w2e_hbm, w2v)
    pltpu.sync_copy(src_hbm.at[pl.ds(base, EPW)], idx_s)
    pltpu.sync_copy(dst_hbm.at[pl.ds(base, EPW)], idx_d)
    w0 = w2v[0:16]
    w1 = w2v[16:32]
    w2 = w2v[32:48]
    w3 = w2v[48:64]
    bvec = w2v[64:80]

    col_iota = lax.iota(jnp.int32, 16) * 16

    def chunk_body(i, _):
        off = i * CHUNK
        pltpu.async_copy(hs_hbm.at[idx_s.at[pl.ds(off, CHUNK)]], rows_s, sem).wait()
        pltpu.async_copy(hd_hbm.at[idx_d.at[pl.ds(off, CHUNK)]], rows_d, sem).wait()

        def group_body(g, _):
            gbase = g * 16
            for lane in range(16):
                e = gbase + lane
                t0 = jnp.maximum(rows_s[e, 0:16] + rows_d[e, 0:16], 0.0)
                t1 = jnp.maximum(rows_s[e, 16:32] + rows_d[e, 16:32], 0.0)
                t2 = jnp.maximum(rows_s[e, 32:48] + rows_d[e, 32:48], 0.0)
                t3 = jnp.maximum(rows_s[e, 48:64] + rows_d[e, 48:64], 0.0)
                acc = t0 * w0 + t1 * w1 + t2 * w2 + t3 * w3
                plsc.store_scatter(tbuf, [col_iota + lane], acc)
            res = bvec
            for j in range(16):
                res = res + tbuf[pl.ds(j * 16, 16)]
            out_v[pl.ds(off + gbase, 16)] = res
            return 0

        lax.fori_loop(0, CHUNK // 16, group_body, 0)
        return 0

    lax.fori_loop(0, NCHUNK, chunk_body, 0)
    pltpu.sync_copy(out_v, out_hbm.at[pl.ds(base, EPW)])


_sc_kernel = functools.partial(
    pl.kernel,
    out_type=jax.ShapeDtypeStruct((EDGES,), jnp.float32),
    mesh=plsc.VectorSubcoreMesh(core_axis_name="c", subcore_axis_name="s"),
    compiler_params=pltpu.CompilerParams(needs_layout_passes=False,
                                         use_tc_tiling_on_sc=False),
    scratch_types=[
        pltpu.VMEM((EPW,), jnp.int32),
        pltpu.VMEM((EPW,), jnp.int32),
        pltpu.VMEM((CHUNK, HID), jnp.float32),
        pltpu.VMEM((CHUNK, HID), jnp.float32),
        pltpu.VMEM((EPW,), jnp.float32),
        pltpu.VMEM((80,), jnp.float32),
        pltpu.VMEM((256,), jnp.float32),
        pltpu.SemaphoreType.DMA,
    ],
)(_sc_body)


def kernel(Z, edge_index, W1, b1, W2, b2):
    hs, hd = _tables(Z, W1, b1.reshape(1, HID).astype(jnp.float32))
    ei = edge_index.astype(jnp.int32)
    w2e = jnp.concatenate([W2.reshape(HID),
                           jnp.broadcast_to(b2.reshape(1), (16,))])
    return _sc_kernel(hs, hd, ei[0], ei[1], w2e)

# --- scband reference (transcript-rebuilt; emitter-appended) ---
"""Pipeline reference for scband-mlpdecoder-4844723110630 (READ-ONLY COPY).

The authoritative reference and input builder live on the scoring server;
editing this copy changes nothing except your own understanding.
"""

import jax, jax.numpy as jnp
import numpy as np

EMBED_DIM = 128
HIDDEN_DIM = 64
N_NODES = 10000
N_EDGES = 320000


def setup_inputs(seed: int = 0) -> dict:
    key = jax.random.key(seed)
    k1, k2, k3, k4 = jax.random.split(key, 4)
    Z = jax.random.normal(k1, (N_NODES, EMBED_DIM), dtype=jnp.float32)
    edge_index = jax.random.randint(k2, (2, N_EDGES), 0, N_NODES, dtype=jnp.int64)
    # xavier_uniform init for linear weights, zeros for bias
    fan_in1, fan_out1 = 2 * EMBED_DIM, HIDDEN_DIM
    limit1 = float(np.sqrt(6.0 / (fan_in1 + fan_out1)))
    W1 = jax.random.uniform(k3, (HIDDEN_DIM, 2 * EMBED_DIM), dtype=jnp.float32, minval=-limit1, maxval=limit1)
    b1 = jnp.zeros((HIDDEN_DIM,), dtype=jnp.float32)
    fan_in2, fan_out2 = HIDDEN_DIM, 1
    limit2 = float(np.sqrt(6.0 / (fan_in2 + fan_out2)))
    W2 = jax.random.uniform(k4, (1, HIDDEN_DIM), dtype=jnp.float32, minval=-limit2, maxval=limit2)
    b2 = jnp.zeros((1,), dtype=jnp.float32)
    return {"Z": Z, "edge_index": edge_index, "W1": W1, "b1": b1, "W2": W2, "b2": b2}


def reference(Z, edge_index, W1, b1, W2, b2):
    src = edge_index[0]
    dst = edge_index[1]
    z_src = jnp.take(Z, src, axis=0)
    z_dst = jnp.take(Z, dst, axis=0)
    pair = jnp.concatenate([z_src, z_dst], axis=-1)  # [E, 2*embed_dim]
    h = jax.nn.relu(pair @ W1.T + b1)                # [E, hidden_dim]
    logits = (h @ W2.T + b2).squeeze(-1)             # [E]
    return logits

if __name__ == "__main__":
    import jax
    _d = setup_inputs()
    print(jax.jit(kernel)(*tuple(_d.values())))

</pallas_src>

<mosaic_0001>
#map = affine_map<(d0, d1) -> (0, 0)>
#map1 = affine_map<(d0, d1) -> (0)>
module attributes {stable_mosaic.version = 14 : i64} {
  func.func @_sc_body(%arg0: i32, %arg1: i32, %arg2: memref<10000x64xf32, #tpu.memory_space<hbm>>, %arg3: memref<10000x64xf32, #tpu.memory_space<hbm>>, %arg4: memref<320000xi32, #tpu.memory_space<hbm>>, %arg5: memref<320000xi32, #tpu.memory_space<hbm>>, %arg6: memref<80xf32, #tpu.memory_space<hbm>>, %arg7: memref<320000xf32, #tpu.memory_space<hbm>>, %arg8: memref<10000xi32, #tpu.memory_space<vmem>>, %arg9: memref<10000xi32, #tpu.memory_space<vmem>>, %arg10: memref<80x64xf32, #tpu.memory_space<vmem>>, %arg11: memref<80x64xf32, #tpu.memory_space<vmem>>, %arg12: memref<10000xf32, #tpu.memory_space<vmem>>, %arg13: memref<80xf32, #tpu.memory_space<vmem>>, %arg14: memref<256xf32, #tpu.memory_space<vmem>>, %arg15: memref<!tpu.dma_semaphore, #tpu.memory_space<semaphore_mem>>) attributes {dimension_semantics = [#tpu.dimension_semantics<core_parallel>, #tpu.dimension_semantics<subcore_parallel>], iteration_bounds = array<i64: 2, 16>, scalar_prefetch = 0 : i64, scratch_operands = 8 : i64, tpu.core_type = #tpu.core_type<sc_vector_subcore>, window_params = [{transform_indices = #map}, {transform_indices = #map}, {transform_indices = #map1}, {transform_indices = #map1}, {transform_indices = #map1}, {transform_indices = #map1}]} {
    %mul3A = arith.constant 2 : i32
    %mul3A_0 = arith.muli %arg1, %mul3A : i32
    %add3A = arith.addi %mul3A_0, %arg0 : i32
    %mul3A_1 = arith.constant 10000 : i32
    %mul3A_2 = arith.muli %add3A, %mul3A_1 : i32
    "tpu.region"() ({
      %run_scoped3A = tpu.sem_alloc : memref<!tpu.dma_semaphore, #tpu.memory_space<semaphore_mem>>
      tpu.enqueue_dma source(%arg6 : memref<80xf32, #tpu.memory_space<hbm>>) target(%arg13 : memref<80xf32, #tpu.memory_space<vmem>>) target_semaphore(%run_scoped3A : memref<!tpu.dma_semaphore, #tpu.memory_space<semaphore_mem>>)
      tpu.wait_dma2 semaphore(%run_scoped3A : memref<!tpu.dma_semaphore, #tpu.memory_space<semaphore_mem>>) src(%arg6 : memref<80xf32, #tpu.memory_space<hbm>>) dst(%arg13 : memref<80xf32, #tpu.memory_space<vmem>>)
      tpu.yield
    }) : () -> ()
    "tpu.region"() ({
      %run_scoped3A = tpu.sem_alloc : memref<!tpu.dma_semaphore, #tpu.memory_space<semaphore_mem>>
      %dma_start3A = tpu.memref_slice %arg4[%mul3A_2] : memref<320000xi32, #tpu.memory_space<hbm>> -> memref<10000xi32, #tpu.memory_space<hbm>>
      %dma_start3A_21 = tpu.memref_slice %arg4[%mul3A_2] : memref<320000xi32, #tpu.memory_space<hbm>> -> memref<10000xi32, #tpu.memory_space<hbm>>
      tpu.enqueue_dma source(%dma_start3A_21 : memref<10000xi32, #tpu.memory_space<hbm>>) target(%arg8 : memref<10000xi32, #tpu.memory_space<vmem>>) target_semaphore(%run_scoped3A : memref<!tpu.dma_semaphore, #tpu.memory_space<semaphore_mem>>)
      %dma_wait3A = tpu.memref_slice %arg4[%mul3A_2] : memref<320000xi32, #tpu.memory_space<hbm>> -> memref<10000xi32, #tpu.memory_space<hbm>>
      %dma_wait3A_22 = tpu.memref_slice %arg4[%mul3A_2] : memref<320000xi32, #tpu.memory_space<hbm>> -> memref<10000xi32, #tpu.memory_space<hbm>>
      tpu.wait_dma2 semaphore(%run_scoped3A : memref<!tpu.dma_semaphore, #tpu.memory_space<semaphore_mem>>) src(%dma_wait3A_22 : memref<10000xi32, #tpu.memory_space<hbm>>) dst(%arg8 : memref<10000xi32, #tpu.memory_space<vmem>>)
      tpu.yield
    }) : () -> ()
    "tpu.region"() ({
      %run_scoped3A = tpu.sem_alloc : memref<!tpu.dma_semaphore, #tpu.memory_space<semaphore_mem>>
      %dma_start3A = tpu.memref_slice %arg5[%mul3A_2] : memref<320000xi32, #tpu.memory_space<hbm>> -> memref<10000xi32, #tpu.memory_space<hbm>>
      %dma_start3A_21 = tpu.memref_slice %arg5[%mul3A_2] : memref<320000xi32, #tpu.memory_space<hbm>> -> memref<10000xi32, #tpu.memory_space<hbm>>
      tpu.enqueue_dma source(%dma_start3A_21 : memref<10000xi32, #tpu.memory_space<hbm>>) target(%arg9 : memref<10000xi32, #tpu.memory_space<vmem>>) target_semaphore(%run_scoped3A : memref<!tpu.dma_semaphore, #tpu.memory_space<semaphore_mem>>)
      %dma_wait3A = tpu.memref_slice %arg5[%mul3A_2] : memref<320000xi32, #tpu.memory_space<hbm>> -> memref<10000xi32, #tpu.memory_space<hbm>>
      %dma_wait3A_22 = tpu.memref_slice %arg5[%mul3A_2] : memref<320000xi32, #tpu.memory_space<hbm>> -> memref<10000xi32, #tpu.memory_space<hbm>>
      tpu.wait_dma2 semaphore(%run_scoped3A : memref<!tpu.dma_semaphore, #tpu.memory_space<semaphore_mem>>) src(%dma_wait3A_22 : memref<10000xi32, #tpu.memory_space<hbm>>) dst(%arg9 : memref<10000xi32, #tpu.memory_space<vmem>>)
      tpu.yield
    }) : () -> ()
    %get3A = arith.constant 0 : index
    %get3A_3 = tpu.vector_load %arg13[%get3A] {strides = array<i32>} : memref<80xf32, #tpu.memory_space<vmem>>, vector<16xf32>,
    %get3A_4 = arith.constant 16 : index
    %get3A_5 = tpu.vector_load %arg13[%get3A_4] {strides = array<i32>} : memref<80xf32, #tpu.memory_space<vmem>>, vector<16xf32>,
    %get3A_6 = arith.constant 32 : index
    %get3A_7 = tpu.vector_load %arg13[%get3A_6] {strides = array<i32>} : memref<80xf32, #tpu.memory_space<vmem>>, vector<16xf32>,
    %get3A_8 = arith.constant 48 : index
    %get3A_9 = tpu.vector_load %arg13[%get3A_8] {strides = array<i32>} : memref<80xf32, #tpu.memory_space<vmem>>, vector<16xf32>,
    %get3A_10 = arith.constant 64 : index
    %get3A_11 = tpu.vector_load %arg13[%get3A_10] {strides = array<i32>} : memref<80xf32, #tpu.memory_space<vmem>>, vector<16xf32>,
    %iota3A = tpu.iota {dimensions = array<i32: 0>} : vector<16xi32>
    %mul3A_12 = arith.constant 16 : i32
    %mul3A_13 = vector.broadcast %mul3A_12 : i32 to vector<16xi32>
    %mul3A_14 = arith.muli %iota3A, %mul3A_13 : vector<16xi32>
    %scan3A = arith.constant 0 : i32
    %scan3A_15 = arith.constant 0 : i32
    %scan3A_16 = arith.constant 125 : i32
    %scan3A_17 = arith.addi %scan3A_15, %scan3A_16 : i32
    %scan3A_18 = arith.constant 1 : i32
    %scan3A_19 = scf.for %scan3A_21 = %scan3A_15 to %scan3A_17 step %scan3A_18 iter_args(%scan3A_22 = %scan3A) -> (i32)  : i32 {
      %mul3A_23 = arith.constant 80 : i32
      %mul3A_24 = arith.muli %scan3A_21, %mul3A_23 : i32
      %dma_start3A = tpu.memref_slice %arg8[%mul3A_24] : memref<10000xi32, #tpu.memory_space<vmem>> -> memref<80xi32, #tpu.memory_space<vmem>>
      %dma_start3A_25 = arith.constant 0 : i32
      %dma_start3A_26 = arith.constant 0 : i32
      %dma_start3A_27 = tpu.memref_slice %arg2[%dma_start3A_25, %dma_start3A_26] : memref<10000x64xf32, #tpu.memory_space<hbm>> -> memref<10000x64xf32, #tpu.memory_space<hbm>>
      tpu.enqueue_indirect_dma source(%dma_start3A_27 : memref<10000x64xf32, #tpu.memory_space<hbm>>) target(%arg10 : memref<80x64xf32, #tpu.memory_space<vmem>>) offsets(%dma_start3A : memref<80xi32, #tpu.memory_space<vmem>>) semaphore(%arg15 : memref<!tpu.dma_semaphore, #tpu.memory_space<semaphore_mem>>)
      %dma_wait3A = tpu.memref_slice %arg8[%mul3A_24] : memref<10000xi32, #tpu.memory_space<vmem>> -> memref<80xi32, #tpu.memory_space<vmem>>
      %dma_wait3A_28 = arith.constant 0 : i32
      %dma_wait3A_29 = arith.constant 0 : i32
      %dma_wait3A_30 = tpu.memref_slice %arg2[%dma_wait3A_28, %dma_wait3A_29] : memref<10000x64xf32, #tpu.memory_space<hbm>> -> memref<10000x64xf32, #tpu.memory_space<hbm>>
      tpu.wait_indirect_dma semaphore(%arg15 : memref<!tpu.dma_semaphore, #tpu.memory_space<semaphore_mem>>) src(%dma_wait3A_30 : memref<10000x64xf32, #tpu.memory_space<hbm>>) dst(%arg10 : memref<80x64xf32, #tpu.memory_space<vmem>>)
      %dma_start3A_31 = tpu.memref_slice %arg9[%mul3A_24] : memref<10000xi32, #tpu.memory_space<vmem>> -> memref<80xi32, #tpu.memory_space<vmem>>
      %dma_start3A_32 = arith.constant 0 : i32
      %dma_start3A_33 = arith.constant 0 : i32
      %dma_start3A_34 = tpu.memref_slice %arg3[%dma_start3A_32, %dma_start3A_33] : memref<10000x64xf32, #tpu.memory_space<hbm>> -> memref<10000x64xf32, #tpu.memory_space<hbm>>
      tpu.enqueue_indirect_dma source(%dma_start3A_34 : memref<10000x64xf32, #tpu.memory_space<hbm>>) target(%arg11 : memref<80x64xf32, #tpu.memory_space<vmem>>) offsets(%dma_start3A_31 : memref<80xi32, #tpu.memory_space<vmem>>) semaphore(%arg15 : memref<!tpu.dma_semaphore, #tpu.memory_space<semaphore_mem>>)
      %dma_wait3A_35 = tpu.memref_slice %arg9[%mul3A_24] : memref<10000xi32, #tpu.memory_space<vmem>> -> memref<80xi32, #tpu.memory_space<vmem>>
      %dma_wait3A_36 = arith.constant 0 : i32
      %dma_wait3A_37 = arith.constant 0 : i32
      %dma_wait3A_38 = tpu.memref_slice %arg3[%dma_wait3A_36, %dma_wait3A_37] : memref<10000x64xf32, #tpu.memory_space<hbm>> -> memref<10000x64xf32, #tpu.memory_space<hbm>>
      tpu.wait_indirect_dma semaphore(%arg15 : memref<!tpu.dma_semaphore, #tpu.memory_space<semaphore_mem>>) src(%dma_wait3A_38 : memref<10000x64xf32, #tpu.memory_space<hbm>>) dst(%arg11 : memref<80x64xf32, #tpu.memory_space<vmem>>)
      %scan3A_39 = arith.constant 0 : i32
      %scan3A_40 = arith.constant 0 : i32
      %scan3A_41 = arith.constant 5 : i32
      %scan3A_42 = arith.addi %scan3A_40, %scan3A_41 : i32
      %scan3A_43 = arith.constant 1 : i32
      %scan3A_44 = scf.for %scan3A_47 = %scan3A_40 to %scan3A_42 step %scan3A_43 iter_args(%scan3A_48 = %scan3A_39) -> (i32)  : i32 {
        %mul3A_49 = arith.constant 16 : i32
        %mul3A_50 = arith.muli %scan3A_47, %mul3A_49 : i32
        %add3A_51 = arith.constant 0 : i32
        %add3A_52 = arith.addi %mul3A_50, %add3A_51 : i32
        %get3A_53 = arith.index_cast %add3A_52 : i32 to index
        %get3A_54 = arith.constant 0 : index
        %get3A_55 = tpu.vector_load %arg10[%get3A_53, %get3A_54] {strides = array<i32>} : memref<80x64xf32, #tpu.memory_space<vmem>>, vector<16xf32>,
        %get3A_56 = arith.index_cast %add3A_52 : i32 to index
        %get3A_57 = arith.constant 0 : index
        %get3A_58 = tpu.vector_load %arg11[%get3A_56, %get3A_57] {strides = array<i32>} : memref<80x64xf32, #tpu.memory_space<vmem>>, vector<16xf32>,
        %add3A_59 = arith.addf %get3A_55, %get3A_58 : vector<16xf32>
        %max3A = arith.constant 0.000000e+00 : f32
        %max3A_60 = vector.broadcast %max3A : f32 to vector<16xf32>
        %max3A_61 = arith.maximumf %add3A_59, %max3A_60 : vector<16xf32>
        %get3A_62 = arith.index_cast %add3A_52 : i32 to index
        %get3A_63 = arith.constant 16 : index
        %get3A_64 = tpu.vector_load %arg10[%get3A_62, %get3A_63] {strides = array<i32>} : memref<80x64xf32, #tpu.memory_space<vmem>>, vector<16xf32>,
        %get3A_65 = arith.index_cast %add3A_52 : i32 to index
        %get3A_66 = arith.constant 16 : index
        %get3A_67 = tpu.vector_load %arg11[%get3A_65, %get3A_66] {strides = array<i32>} : memref<80x64xf32, #tpu.memory_space<vmem>>, vector<16xf32>,
        %add3A_68 = arith.addf %get3A_64, %get3A_67 : vector<16xf32>
        %max3A_69 = arith.constant 0.000000e+00 : f32
        %max3A_70 = vector.broadcast %max3A_69 : f32 to vector<16xf32>
        %max3A_71 = arith.maximumf %add3A_68, %max3A_70 : vector<16xf32>
        %get3A_72 = arith.index_cast %add3A_52 : i32 to index
        %get3A_73 = arith.constant 32 : index
        %get3A_74 = tpu.vector_load %arg10[%get3A_72, %get3A_73] {strides = array<i32>} : memref<80x64xf32, #tpu.memory_space<vmem>>, vector<16xf32>,
        %get3A_75 = arith.index_cast %add3A_52 : i32 to index
        %get3A_76 = arith.constant 32 : index
        %get3A_77 = tpu.vector_load %arg11[%get3A_75, %get3A_76] {strides = array<i32>} : memref<80x64xf32, #tpu.memory_space<vmem>>, vector<16xf32>,
        %add3A_78 = arith.addf %get3A_74, %get3A_77 : vector<16xf32>
        %max3A_79 = arith.constant 0.000000e+00 : f32
        %max3A_80 = vector.broadcast %max3A_79 : f32 to vector<16xf32>
        %max3A_81 = arith.maximumf %add3A_78, %max3A_80 : vector<16xf32>
        %get3A_82 = arith.index_cast %add3A_52 : i32 to index
        %get3A_83 = arith.constant 48 : index
        %get3A_84 = tpu.vector_load %arg10[%get3A_82, %get3A_83] {strides = array<i32>} : memref<80x64xf32, #tpu.memory_space<vmem>>, vector<16xf32>,
        %get3A_85 = arith.index_cast %add3A_52 : i32 to index
        %get3A_86 = arith.constant 48 : index
        %get3A_87 = tpu.vector_load %arg11[%get3A_85, %get3A_86] {strides = array<i32>} : memref<80x64xf32, #tpu.memory_space<vmem>>, vector<16xf32>,
        %add3A_88 = arith.addf %get3A_84, %get3A_87 : vector<16xf32>
        %max3A_89 = arith.constant 0.000000e+00 : f32
        %max3A_90 = vector.broadcast %max3A_89 : f32 to vector<16xf32>
        %max3A_91 = arith.maximumf %add3A_88, %max3A_90 : vector<16xf32>
        %mul3A_92 = arith.mulf %max3A_61, %get3A_3 : vector<16xf32>
        %mul3A_93 = arith.mulf %max3A_71, %get3A_5 : vector<16xf32>
        %add3A_94 = arith.addf %mul3A_92, %mul3A_93 : vector<16xf32>
        %mul3A_95 = arith.mulf %max3A_81, %get3A_7 : vector<16xf32>
        %add3A_96 = arith.addf %add3A_94, %mul3A_95 : vector<16xf32>
        %mul3A_97 = arith.mulf %max3A_91, %get3A_9 : vector<16xf32>
        %add3A_98 = arith.addf %add3A_96, %mul3A_97 : vector<16xf32>
        %add3A_99 = arith.constant 0 : i32
        %add3A_100 = vector.broadcast %add3A_99 : i32 to vector<16xi32>
        %add3A_101 = arith.addi %mul3A_14, %add3A_100 : vector<16xi32>
        tpu.vector_store_idx %arg14[%add3A_101], %add3A_98 : memref<256xf32, #tpu.memory_space<vmem>>[vector<16xi32>], vector<16xf32>,
        %add3A_102 = arith.constant 1 : i32
        %add3A_103 = arith.addi %mul3A_50, %add3A_102 : i32
        %get3A_104 = arith.index_cast %add3A_103 : i32 to index
        %get3A_105 = arith.constant 0 : index
        %get3A_106 = tpu.vector_load %arg10[%get3A_104, %get3A_105] {strides = array<i32>} : memref<80x64xf32, #tpu.memory_space<vmem>>, vector<16xf32>,
        %get3A_107 = arith.index_cast %add3A_103 : i32 to index
        %get3A_108 = arith.constant 0 : index
        %get3A_109 = tpu.vector_load %arg11[%get3A_107, %get3A_108] {strides = array<i32>} : memref<80x64xf32, #tpu.memory_space<vmem>>, vector<16xf32>,
        %add3A_110 = arith.addf %get3A_106, %get3A_109 : vector<16xf32>
        %max3A_111 = arith.constant 0.000000e+00 : f32
        %max3A_112 = vector.broadcast %max3A_111 : f32 to vector<16xf32>
        %max3A_113 = arith.maximumf %add3A_110, %max3A_112 : vector<16xf32>
        %get3A_114 = arith.index_cast %add3A_103 : i32 to index
        %get3A_115 = arith.constant 16 : index
        %get3A_116 = tpu.vector_load %arg10[%get3A_114, %get3A_115] {strides = array<i32>} : memref<80x64xf32, #tpu.memory_space<vmem>>, vector<16xf32>,
        %get3A_117 = arith.index_cast %add3A_103 : i32 to index
        %get3A_118 = arith.constant 16 : index
        %get3A_119 = tpu.vector_load %arg11[%get3A_117, %get3A_118] {strides = array<i32>} : memref<80x64xf32, #tpu.memory_space<vmem>>, vector<16xf32>,
        %add3A_120 = arith.addf %get3A_116, %get3A_119 : vector<16xf32>
        %max3A_121 = arith.constant 0.000000e+00 : f32
        %max3A_122 = vector.broadcast %max3A_121 : f32 to vector<16xf32>
        %max3A_123 = arith.maximumf %add3A_120, %max3A_122 : vector<16xf32>
        %get3A_124 = arith.index_cast %add3A_103 : i32 to index
        %get3A_125 = arith.constant 32 : index
        %get3A_126 = tpu.vector_load %arg10[%get3A_124, %get3A_125] {strides = array<i32>} : memref<80x64xf32, #tpu.memory_space<vmem>>, vector<16xf32>,
        %get3A_127 = arith.index_cast %add3A_103 : i32 to index
        %get3A_128 = arith.constant 32 : index
        %get3A_129 = tpu.vector_load %arg11[%get3A_127, %get3A_128] {strides = array<i32>} : memref<80x64xf32, #tpu.memory_space<vmem>>, vector<16xf32>,
        %add3A_130 = arith.addf %get3A_126, %get3A_129 : vector<16xf32>
        %max3A_131 = arith.constant 0.000000e+00 : f32
        %max3A_132 = vector.broadcast %max3A_131 : f32 to vector<16xf32>
        %max3A_133 = arith.maximumf %add3A_130, %max3A_132 : vector<16xf32>
        %get3A_134 = arith.index_cast %add3A_103 : i32 to index
        %get3A_135 = arith.constant 48 : index
        %get3A_136 = tpu.vector_load %arg10[%get3A_134, %get3A_135] {strides = array<i32>} : memref<80x64xf32, #tpu.memory_space<vmem>>, vector<16xf32>,
        %get3A_137 = arith.index_cast %add3A_103 : i32 to index
        %get3A_138 = arith.constant 48 : index
        %get3A_139 = tpu.vector_load %arg11[%get3A_137, %get3A_138] {strides = array<i32>} : memref<80x64xf32, #tpu.memory_space<vmem>>, vector<16xf32>,
        %add3A_140 = arith.addf %get3A_136, %get3A_139 : vector<16xf32>
        %max3A_141 = arith.constant 0.000000e+00 : f32
        %max3A_142 = vector.broadcast %max3A_141 : f32 to vector<16xf32>
        %max3A_143 = arith.maximumf %add3A_140, %max3A_142 : vector<16xf32>
        %mul3A_144 = arith.mulf %max3A_113, %get3A_3 : vector<16xf32>
        %mul3A_145 = arith.mulf %max3A_123, %get3A_5 : vector<16xf32>
        %add3A_146 = arith.addf %mul3A_144, %mul3A_145 : vector<16xf32>
        %mul3A_147 = arith.mulf %max3A_133, %get3A_7 : vector<16xf32>
        %add3A_148 = arith.addf %add3A_146, %mul3A_147 : vector<16xf32>
        %mul3A_149 = arith.mulf %max3A_143, %get3A_9 : vector<16xf32>
        %add3A_150 = arith.addf %add3A_148, %mul3A_149 : vector<16xf32>
        %add3A_151 = arith.constant 1 : i32
        %add3A_152 = vector.broadcast %add3A_151 : i32 to vector<16xi32>
        %add3A_153 = arith.addi %mul3A_14, %add3A_152 : vector<16xi32>
        tpu.vector_store_idx %arg14[%add3A_153], %add3A_150 : memref<256xf32, #tpu.memory_space<vmem>>[vector<16xi32>], vector<16xf32>,
        %add3A_154 = arith.constant 2 : i32
        %add3A_155 = arith.addi %mul3A_50, %add3A_154 : i32
        %get3A_156 = arith.index_cast %add3A_155 : i32 to index
        %get3A_157 = arith.constant 0 : index
        %get3A_158 = tpu.vector_load %arg10[%get3A_156, %get3A_157] {strides = array<i32>} : memref<80x64xf32, #tpu.memory_space<vmem>>, vector<16xf32>,
        %get3A_159 = arith.index_cast %add3A_155 : i32 to index
        %get3A_160 = arith.constant 0 : index
        %get3A_161 = tpu.vector_load %arg11[%get3A_159, %get3A_160] {strides = array<i32>} : memref<80x64xf32, #tpu.memory_space<vmem>>, vector<16xf32>,
        %add3A_162 = arith.addf %get3A_158, %get3A_161 : vector<16xf32>
        %max3A_163 = arith.constant 0.000000e+00 : f32
        %max3A_164 = vector.broadcast %max3A_163 : f32 to vector<16xf32>
        %max3A_165 = arith.maximumf %add3A_162, %max3A_164 : vector<16xf32>
        %get3A_166 = arith.index_cast %add3A_155 : i32 to index
        %get3A_167 = arith.constant 16 : index
        %get3A_168 = tpu.vector_load %arg10[%get3A_166, %get3A_167] {strides = array<i32>} : memref<80x64xf32, #tpu.memory_space<vmem>>, vector<16xf32>,
        %get3A_169 = arith.index_cast %add3A_155 : i32 to index
        %get3A_170 = arith.constant 16 : index
        %get3A_171 = tpu.vector_load %arg11[%get3A_169, %get3A_170] {strides = array<i32>} : memref<80x64xf32, #tpu.memory_space<vmem>>, vector<16xf32>,
        %add3A_172 = arith.addf %get3A_168, %get3A_171 : vector<16xf32>
        %max3A_173 = arith.constant 0.000000e+00 : f32
        %max3A_174 = vector.broadcast %max3A_173 : f32 to vector<16xf32>
        %max3A_175 = arith.maximumf %add3A_172, %max3A_174 : vector<16xf32>
        %get3A_176 = arith.index_cast %add3A_155 : i32 to index
        %get3A_177 = arith.constant 32 : index
        %get3A_178 = tpu.vector_load %arg10[%get3A_176, %get3A_177] {strides = array<i32>} : memref<80x64xf32, #tpu.memory_space<vmem>>, vector<16xf32>,
        %get3A_179 = arith.index_cast %add3A_155 : i32 to index
        %get3A_180 = arith.constant 32 : index
        %get3A_181 = tpu.vector_load %arg11[%get3A_179, %get3A_180] {strides = array<i32>} : memref<80x64xf32, #tpu.memory_space<vmem>>, vector<16xf32>,
        %add3A_182 = arith.addf %get3A_178, %get3A_181 : vector<16xf32>
        %max3A_183 = arith.constant 0.000000e+00 : f32
        %max3A_184 = vector.broadcast %max3A_183 : f32 to vector<16xf32>
        %max3A_185 = arith.maximumf %add3A_182, %max3A_184 : vector<16xf32>
        %get3A_186 = arith.index_cast %add3A_155 : i32 to index
        %get3A_187 = arith.constant 48 : index
        %get3A_188 = tpu.vector_load %arg10[%get3A_186, %get3A_187] {strides = array<i32>} : memref<80x64xf32, #tpu.memory_space<vmem>>, vector<16xf32>,
        %get3A_189 = arith.index_cast %add3A_155 : i32 to index
        %get3A_190 = arith.constant 48 : index
        %get3A_191 = tpu.vector_load %arg11[%get3A_189, %get3A_190] {strides = array<i32>} : memref<80x64xf32, #tpu.memory_space<vmem>>, vector<16xf32>,
        %add3A_192 = arith.addf %get3A_188, %get3A_191 : vector<16xf32>
        %max3A_193 = arith.constant 0.000000e+00 : f32
        %max3A_194 = vector.broadcast %max3A_193 : f32 to vector<16xf32>
        %max3A_195 = arith.maximumf %add3A_192, %max3A_194 : vector<16xf32>
        %mul3A_196 = arith.mulf %max3A_165, %get3A_3 : vector<16xf32>
        %mul3A_197 = arith.mulf %max3A_175, %get3A_5 : vector<16xf32>
        %add3A_198 = arith.addf %mul3A_196, %mul3A_197 : vector<16xf32>
        %mul3A_199 = arith.mulf %max3A_185, %get3A_7 : vector<16xf32>
        %add3A_200 = arith.addf %add3A_198, %mul3A_199 : vector<16xf32>
        %mul3A_201 = arith.mulf %max3A_195, %get3A_9 : vector<16xf32>
        %add3A_202 = arith.addf %add3A_200, %mul3A_201 : vector<16xf32>
        %add3A_203 = arith.constant 2 : i32
        %add3A_204 = vector.broadcast %add3A_203 : i32 to vector<16xi32>
        %add3A_205 = arith.addi %mul3A_14, %add3A_204 : vector<16xi32>
        tpu.vector_store_idx %arg14[%add3A_205], %add3A_202 : memref<256xf32, #tpu.memory_space<vmem>>[vector<16xi32>], vector<16xf32>,
        %add3A_206 = arith.constant 3 : i32
        %add3A_207 = arith.addi %mul3A_50, %add3A_206 : i32
        %get3A_208 = arith.index_cast %add3A_207 : i32 to index
        %get3A_209 = arith.constant 0 : index
        %get3A_210 = tpu.vector_load %arg10[%get3A_208, %get3A_209] {strides = array<i32>} : memref<80x64xf32, #tpu.memory_space<vmem>>, vector<16xf32>,
        %get3A_211 = arith.index_cast %add3A_207 : i32 to index
        %get3A_212 = arith.constant 0 : index
        %get3A_213 = tpu.vector_load %arg11[%get3A_211, %get3A_212] {strides = array<i32>} : memref<80x64xf32, #tpu.memory_space<vmem>>, vector<16xf32>,
        %add3A_214 = arith.addf %get3A_210, %get3A_213 : vector<16xf32>
        %max3A_215 = arith.constant 0.000000e+00 : f32
        %max3A_216 = vector.broadcast %max3A_215 : f32 to vector<16xf32>
        %max3A_217 = arith.maximumf %add3A_214, %max3A_216 : vector<16xf32>
        %get3A_218 = arith.index_cast %add3A_207 : i32 to index
        %get3A_219 = arith.constant 16 : index
        %get3A_220 = tpu.vector_load %arg10[%get3A_218, %get3A_219] {strides = array<i32>} : memref<80x64xf32, #tpu.memory_space<vmem>>, vector<16xf32>,
        %get3A_221 = arith.index_cast %add3A_207 : i32 to index
        %get3A_222 = arith.constant 16 : index
        %get3A_223 = tpu.vector_load %arg11[%get3A_221, %get3A_222] {strides = array<i32>} : memref<80x64xf32, #tpu.memory_space<vmem>>, vector<16xf32>,
        %add3A_224 = arith.addf %get3A_220, %get3A_223 : vector<16xf32>
        %max3A_225 = arith.constant 0.000000e+00 : f32
        %max3A_226 = vector.broadcast %max3A_225 : f32 to vector<16xf32>
        %max3A_227 = arith.maximumf %add3A_224, %max3A_226 : vector<16xf32>
        %get3A_228 = arith.index_cast %add3A_207 : i32 to index
        %get3A_229 = arith.constant 32 : index
        %get3A_230 = tpu.vector_load %arg10[%get3A_228, %get3A_229] {strides = array<i32>} : memref<80x64xf32, #tpu.memory_space<vmem>>, vector<16xf32>,
        %get3A_231 = arith.index_cast %add3A_207 : i32 to index
        %get3A_232 = arith.constant 32 : index
        %get3A_233 = tpu.vector_load %arg11[%get3A_231, %get3A_232] {strides = array<i32>} : memref<80x64xf32, #tpu.memory_space<vmem>>, vector<16xf32>,
        %add3A_234 = arith.addf %get3A_230, %get3A_233 : vector<16xf32>
        %max3A_235 = arith.constant 0.000000e+00 : f32
        %max3A_236 = vector.broadcast %max3A_235 : f32 to vector<16xf32>
        %max3A_237 = arith.maximumf %add3A_234, %max3A_236 : vector<16xf32>
        %get3A_238 = arith.index_cast %add3A_207 : i32 to index
        %get3A_239 = arith.constant 48 : index
        %get3A_240 = tpu.vector_load %arg10[%get3A_238, %get3A_239] {strides = array<i32>} : memref<80x64xf32, #tpu.memory_space<vmem>>, vector<16xf32>,
        %get3A_241 = arith.index_cast %add3A_207 : i32 to index
        %get3A_242 = arith.constant 48 : index
        %get3A_243 = tpu.vector_load %arg11[%get3A_241, %get3A_242] {strides = array<i32>} : memref<80x64xf32, #tpu.memory_space<vmem>>, vector<16xf32>,
        %add3A_244 = arith.addf %get3A_240, %get3A_243 : vector<16xf32>
        %max3A_245 = arith.constant 0.000000e+00 : f32
        %max3A_246 = vector.broadcast %max3A_245 : f32 to vector<16xf32>
        %max3A_247 = arith.maximumf %add3A_244, %max3A_246 : vector<16xf32>
        %mul3A_248 = arith.mulf %max3A_217, %get3A_3 : vector<16xf32>
        %mul3A_249 = arith.mulf %max3A_227, %get3A_5 : vector<16xf32>
        %add3A_250 = arith.addf %mul3A_248, %mul3A_249 : vector<16xf32>
        %mul3A_251 = arith.mulf %max3A_237, %get3A_7 : vector<16xf32>
        %add3A_252 = arith.addf %add3A_250, %mul3A_251 : vector<16xf32>
        %mul3A_253 = arith.mulf %max3A_247, %get3A_9 : vector<16xf32>
        %add3A_254 = arith.addf %add3A_252, %mul3A_253 : vector<16xf32>
        %add3A_255 = arith.constant 3 : i32
        %add3A_256 = vector.broadcast %add3A_255 : i32 to vector<16xi32>
        %add3A_257 = arith.addi %mul3A_14, %add3A_256 : vector<16xi32>
        tpu.vector_store_idx %arg14[%add3A_257], %add3A_254 : memref<256xf32, #tpu.memory_space<vmem>>[vector<16xi32>], vector<16xf32>,
        %add3A_258 = arith.constant 4 : i32
        %add3A_259 = arith.addi %mul3A_50, %add3A_258 : i32
        %get3A_260 = arith.index_cast %add3A_259 : i32 to index
        %get3A_261 = arith.constant 0 : index
        %get3A_262 = tpu.vector_load %arg10[%get3A_260, %get3A_261] {strides = array<i32>} : memref<80x64xf32, #tpu.memory_space<vmem>>, vector<16xf32>,
        %get3A_263 = arith.index_cast %add3A_259 : i32 to index
        %get3A_264 = arith.constant 0 : index
        %get3A_265 = tpu.vector_load %arg11[%get3A_263, %get3A_264] {strides = array<i32>} : memref<80x64xf32, #tpu.memory_space<vmem>>, vector<16xf32>,
        %add3A_266 = arith.addf %get3A_262, %get3A_265 : vector<16xf32>
        %max3A_267 = arith.constant 0.000000e+00 : f32
        %max3A_268 = vector.broadcast %max3A_267 : f32 to vector<16xf32>
        %max3A_269 = arith.maximumf %add3A_266, %max3A_268 : vector<16xf32>
        %get3A_270 = arith.index_cast %add3A_259 : i32 to index
        %get3A_271 = arith.constant 16 : index
        %get3A_272 = tpu.vector_load %arg10[%get3A_270, %get3A_271] {strides = array<i32>} : memref<80x64xf32, #tpu.memory_space<vmem>>, vector<16xf32>,
        %get3A_273 = arith.index_cast %add3A_259 : i32 to index
        %get3A_274 = arith.constant 16 : index
        %get3A_275 = tpu.vector_load %arg11[%get3A_273, %get3A_274] {strides = array<i32>} : memref<80x64xf32, #tpu.memory_space<vmem>>, vector<16xf32>,
        %add3A_276 = arith.addf %get3A_272, %get3A_275 : vector<16xf32>
        %max3A_277 = arith.constant 0.000000e+00 : f32
        %max3A_278 = vector.broadcast %max3A_277 : f32 to vector<16xf32>
        %max3A_279 = arith.maximumf %add3A_276, %max3A_278 : vector<16xf32>
        %get3A_280 = arith.index_cast %add3A_259 : i32 to index
        %get3A_281 = arith.constant 32 : index
        %get3A_282 = tpu.vector_load %arg10[%get3A_280, %get3A_281] {strides = array<i32>} : memref<80x64xf32, #tpu.memory_space<vmem>>, vector<16xf32>,
        %get3A_283 = arith.index_cast %add3A_259 : i32 to index
        %get3A_284 = arith.constant 32 : index
        %get3A_285 = tpu.vector_load %arg11[%get3A_283, %get3A_284] {strides = array<i32>} : memref<80x64xf32, #tpu.memory_space<vmem>>, vector<16xf32>,
        %add3A_286 = arith.addf %get3A_282, %get3A_285 : vector<16xf32>
        %max3A_287 = arith.constant 0.000000e+00 : f32
        %max3A_288 = vector.broadcast %max3A_287 : f32 to vector<16xf32>
        %max3A_289 = arith.maximumf %add3A_286, %max3A_288 : vector<16xf32>
        %get3A_290 = arith.index_cast %add3A_259 : i32 to index
        %get3A_291 = arith.constant 48 : index
        %get3A_292 = tpu.vector_load %arg10[%get3A_290, %get3A_291] {strides = array<i32>} : memref<80x64xf32, #tpu.memory_space<vmem>>, vector<16xf32>,
        %get3A_293 = arith.index_cast %add3A_259 : i32 to index
        %get3A_294 = arith.constant 48 : index
        %get3A_295 = tpu.vector_load %arg11[%get3A_293, %get3A_294] {strides = array<i32>} : memref<80x64xf32, #tpu.memory_space<vmem>>, vector<16xf32>,
        %add3A_296 = arith.addf %get3A_292, %get3A_295 : vector<16xf32>
        %max3A_297 = arith.constant 0.000000e+00 : f32
        %max3A_298 = vector.broadcast %max3A_297 : f32 to vector<16xf32>
        %max3A_299 = arith.maximumf %add3A_296, %max3A_298 : vector<16xf32>
        %mul3A_300 = arith.mulf %max3A_269, %get3A_3 : vector<16xf32>
        %mul3A_301 = arith.mulf %max3A_279, %get3A_5 : vector<16xf32>
        %add3A_302 = arith.addf %mul3A_300, %mul3A_301 : vector<16xf32>
        %mul3A_303 = arith.mulf %max3A_289, %get3A_7 : vector<16xf32>
        %add3A_304 = arith.addf %add3A_302, %mul3A_303 : vector<16xf32>
        %mul3A_305 = arith.mulf %max3A_299, %get3A_9 : vector<16xf32>
        %add3A_306 = arith.addf %add3A_304, %mul3A_305 : vector<16xf32>
        %add3A_307 = arith.constant 4 : i32
        %add3A_308 = vector.broadcast %add3A_307 : i32 to vector<16xi32>
        %add3A_309 = arith.addi %mul3A_14, %add3A_308 : vector<16xi32>
        tpu.vector_store_idx %arg14[%add3A_309], %add3A_306 : memref<256xf32, #tpu.memory_space<vmem>>[vector<16xi32>], vector<16xf32>,
        %add3A_310 = arith.constant 5 : i32
        %add3A_311 = arith.addi %mul3A_50, %add3A_310 : i32
        %get3A_312 = arith.index_cast %add3A_311 : i32 to index
        %get3A_313 = arith.constant 0 : index
        %get3A_314 = tpu.vector_load %arg10[%get3A_312, %get3A_313] {strides = array<i32>} : memref<80x64xf32, #tpu.memory_space<vmem>>, vector<16xf32>,
        %get3A_315 = arith.index_cast %add3A_311 : i32 to index
        %get3A_316 = arith.constant 0 : index
        %get3A_317 = tpu.vector_load %arg11[%get3A_315, %get3A_316] {strides = array<i32>} : memref<80x64xf32, #tpu.memory_space<vmem>>, vector<16xf32>,
        %add3A_318 = arith.addf %get3A_314, %get3A_317 : vector<16xf32>
        %max3A_319 = arith.constant 0.000000e+00 : f32
        %max3A_320 = vector.broadcast %max3A_319 : f32 to vector<16xf32>
        %max3A_321 = arith.maximumf %add3A_318, %max3A_320 : vector<16xf32>
        %get3A_322 = arith.index_cast %add3A_311 : i32 to index
        %get3A_323 = arith.constant 16 : index
        %get3A_324 = tpu.vector_load %arg10[%get3A_322, %get3A_323] {strides = array<i32>} : memref<80x64xf32, #tpu.memory_space<vmem>>, vector<16xf32>,
        %get3A_325 = arith.index_cast %add3A_311 : i32 to index
        %get3A_326 = arith.constant 16 : index
        %get3A_327 = tpu.vector_load %arg11[%get3A_325, %get3A_326] {strides = array<i32>} : memref<80x64xf32, #tpu.memory_space<vmem>>, vector<16xf32>,
        %add3A_328 = arith.addf %get3A_324, %get3A_327 : vector<16xf32>
        %max3A_329 = arith.constant 0.000000e+00 : f32
        %max3A_330 = vector.broadcast %max3A_329 : f32 to vector<16xf32>
        %max3A_331 = arith.maximumf %add3A_328, %max3A_330 : vector<16xf32>
        %get3A_332 = arith.index_cast %add3A_311 : i32 to index
        %get3A_333 = arith.constant 32 : index
        %get3A_334 = tpu.vector_load %arg10[%get3A_332, %get3A_333] {strides = array<i32>} : memref<80x64xf32, #tpu.memory_space<vmem>>, vector<16xf32>,
        %get3A_335 = arith.index_cast %add3A_311 : i32 to index
        %get3A_336 = arith.constant 32 : index
        %get3A_337 = tpu.vector_load %arg11[%get3A_335, %get3A_336] {strides = array<i32>} : memref<80x64xf32, #tpu.memory_space<vmem>>, vector<16xf32>,
        %add3A_338 = arith.addf %get3A_334, %get3A_337 : vector<16xf32>
        %max3A_339 = arith.constant 0.000000e+00 : f32
        %max3A_340 = vector.broadcast %max3A_339 : f32 to vector<16xf32>
        %max3A_341 = arith.maximumf %add3A_338, %max3A_340 : vector<16xf32>
        %get3A_342 = arith.index_cast %add3A_311 : i32 to index
        %get3A_343 = arith.constant 48 : index
        %get3A_344 = tpu.vector_load %arg10[%get3A_342, %get3A_343] {strides = array<i32>} : memref<80x64xf32, #tpu.memory_space<vmem>>, vector<16xf32>,
        %get3A_345 = arith.index_cast %add3A_311 : i32 to index
        %get3A_346 = arith.constant 48 : index
        %get3A_347 = tpu.vector_load %arg11[%get3A_345, %get3A_346] {strides = array<i32>} : memref<80x64xf32, #tpu.memory_space<vmem>>, vector<16xf32>,
        %add3A_348 = arith.addf %get3A_344, %get3A_347 : vector<16xf32>
        %max3A_349 = arith.constant 0.000000e+00 : f32
        %max3A_350 = vector.broadcast %max3A_349 : f32 to vector<16xf32>
        %max3A_351 = arith.maximumf %add3A_348, %max3A_350 : vector<16xf32>
        %mul3A_352 = arith.mulf %max3A_321, %get3A_3 : vector<16xf32>
        %mul3A_353 = arith.mulf %max3A_331, %get3A_5 : vector<16xf32>
        %add3A_354 = arith.addf %mul3A_352, %mul3A_353 : vector<16xf32>
        %mul3A_355 = arith.mulf %max3A_341, %get3A_7 : vector<16xf32>
        %add3A_356 = arith.addf %add3A_354, %mul3A_355 : vector<16xf32>
        %mul3A_357 = arith.mulf %max3A_351, %get3A_9 : vector<16xf32>
        %add3A_358 = arith.addf %add3A_356, %mul3A_357 : vector<16xf32>
        %add3A_359 = arith.constant 5 : i32
        %add3A_360 = vector.broadcast %add3A_359 : i32 to vector<16xi32>
        %add3A_361 = arith.addi %mul3A_14, %add3A_360 : vector<16xi32>
        tpu.vector_store_idx %arg14[%add3A_361], %add3A_358 : memref<256xf32, #tpu.memory_space<vmem>>[vector<16xi32>], vector<16xf32>,
        %add3A_362 = arith.constant 6 : i32
        %add3A_363 = arith.addi %mul3A_50, %add3A_362 : i32
        %get3A_364 = arith.index_cast %add3A_363 : i32 to index
        %get3A_365 = arith.constant 0 : index
        %get3A_366 = tpu.vector_load %arg10[%get3A_364, %get3A_365] {strides = array<i32>} : memref<80x64xf32, #tpu.memory_space<vmem>>, vector<16xf32>,
        %get3A_367 = arith.index_cast %add3A_363 : i32 to index
        %get3A_368 = arith.constant 0 : index
        %get3A_369 = tpu.vector_load %arg11[%get3A_367, %get3A_368] {strides = array<i32>} : memref<80x64xf32, #tpu.memory_space<vmem>>, vector<16xf32>,
        %add3A_370 = arith.addf %get3A_366, %get3A_369 : vector<16xf32>
        %max3A_371 = arith.constant 0.000000e+00 : f32
        %max3A_372 = vector.broadcast %max3A_371 : f32 to vector<16xf32>
        %max3A_373 = arith.maximumf %add3A_370, %max3A_372 : vector<16xf32>
        %get3A_374 = arith.index_cast %add3A_363 : i32 to index
        %get3A_375 = arith.constant 16 : index
        %get3A_376 = tpu.vector_load %arg10[%get3A_374, %get3A_375] {strides = array<i32>} : memref<80x64xf32, #tpu.memory_space<vmem>>, vector<16xf32>,
        %get3A_377 = arith.index_cast %add3A_363 : i32 to index
        %get3A_378 = arith.constant 16 : index
        %get3A_379 = tpu.vector_load %arg11[%get3A_377, %get3A_378] {strides = array<i32>} : memref<80x64xf32, #tpu.memory_space<vmem>>, vector<16xf32>,
        %add3A_380 = arith.addf %get3A_376, %get3A_379 : vector<16xf32>
        %max3A_381 = arith.constant 0.000000e+00 : f32
        %max3A_382 = vector.broadcast %max3A_381 : f32 to vector<16xf32>
        %max3A_383 = arith.maximumf %add3A_380, %max3A_382 : vector<16xf32>
        %get3A_384 = arith.index_cast %add3A_363 : i32 to index
        %get3A_385 = arith.constant 32 : index
        %get3A_386 = tpu.vector_load %arg10[%get3A_384, %get3A_385] {strides = array<i32>} : memref<80x64xf32, #tpu.memory_space<vmem>>, vector<16xf32>,
        %get3A_387 = arith.index_cast %add3A_363 : i32 to index
        %get3A_388 = arith.constant 32 : index
        %get3A_389 = tpu.vector_load %arg11[%get3A_387, %get3A_388] {strides = array<i32>} : memref<80x64xf32, #tpu.memory_space<vmem>>, vector<16xf32>,
        %add3A_390 = arith.addf %get3A_386, %get3A_389 : vector<16xf32>
        %max3A_391 = arith.constant 0.000000e+00 : f32
        %max3A_392 = vector.broadcast %max3A_391 : f32 to vector<16xf32>
        %max3A_393 = arith.maximumf %add3A_390, %max3A_392 : vector<16xf32>
        %get3A_394 = arith.index_cast %add3A_363 : i32 to index
        %get3A_395 = arith.constant 48 : index
        %get3A_396 = tpu.vector_load %arg10[%get3A_394, %get3A_395] {strides = array<i32>} : memref<80x64xf32, #tpu.memory_space<vmem>>, vector<16xf32>,
        %get3A_397 = arith.index_cast %add3A_363 : i32 to index
        %get3A_398 = arith.constant 48 : index
        %get3A_399 = tpu.vector_load %arg11[%get3A_397, %get3A_398] {strides = array<i32>} : memref<80x64xf32, #tpu.memory_space<vmem>>, vector<16xf32>,
        %add3A_400 = arith.addf %get3A_396, %get3A_399 : vector<16xf32>
        %max3A_401 = arith.constant 0.000000e+00 : f32
        %max3A_402 = vector.broadcast %max3A_401 : f32 to vector<16xf32>
        %max3A_403 = arith.maximumf %add3A_400, %max3A_402 : vector<16xf32>
        %mul3A_404 = arith.mulf %max3A_373, %get3A_3 : vector<16xf32>
        %mul3A_405 = arith.mulf %max3A_383, %get3A_5 : vector<16xf32>
        %add3A_406 = arith.addf %mul3A_404, %mul3A_405 : vector<16xf32>
        %mul3A_407 = arith.mulf %max3A_393, %get3A_7 : vector<16xf32>
        %add3A_408 = arith.addf %add3A_406, %mul3A_407 : vector<16xf32>
        %mul3A_409 = arith.mulf %max3A_403, %get3A_9 : vector<16xf32>
        %add3A_410 = arith.addf %add3A_408, %mul3A_409 : vector<16xf32>
        %add3A_411 = arith.constant 6 : i32
        %add3A_412 = vector.broadcast %add3A_411 : i32 to vector<16xi32>
        %add3A_413 = arith.addi %mul3A_14, %add3A_412 : vector<16xi32>
        tpu.vector_store_idx %arg14[%add3A_413], %add3A_410 : memref<256xf32, #tpu.memory_space<vmem>>[vector<16xi32>], vector<16xf32>,
        %add3A_414 = arith.constant 7 : i32
        %add3A_415 = arith.addi %mul3A_50, %add3A_414 : i32
        %get3A_416 = arith.index_cast %add3A_415 : i32 to index
        %get3A_417 = arith.constant 0 : index
        %get3A_418 = tpu.vector_load %arg10[%get3A_416, %get3A_417] {strides = array<i32>} : memref<80x64xf32, #tpu.memory_space<vmem>>, vector<16xf32>,
        %get3A_419 = arith.index_cast %add3A_415 : i32 to index
        %get3A_420 = arith.constant 0 : index
        %get3A_421 = tpu.vector_load %arg11[%get3A_419, %get3A_420] {strides = array<i32>} : memref<80x64xf32, #tpu.memory_space<vmem>>, vector<16xf32>,
        %add3A_422 = arith.addf %get3A_418, %get3A_421 : vector<16xf32>
        %max3A_423 = arith.constant 0.000000e+00 : f32
        %max3A_424 = vector.broadcast %max3A_423 : f32 to vector<16xf32>
        %max3A_425 = arith.maximumf %add3A_422, %max3A_424 : vector<16xf32>
        %get3A_426 = arith.index_cast %add3A_415 : i32 to index
        %get3A_427 = arith.constant 16 : index
        %get3A_428 = tpu.vector_load %arg10[%get3A_426, %get3A_427] {strides = array<i32>} : memref<80x64xf32, #tpu.memory_space<vmem>>, vector<16xf32>,
        %get3A_429 = arith.index_cast %add3A_415 : i32 to index
        %get3A_430 = arith.constant 16 : index
        %get3A_431 = tpu.vector_load %arg11[%get3A_429, %get3A_430] {strides = array<i32>} : memref<80x64xf32, #tpu.memory_space<vmem>>, vector<16xf32>,
        %add3A_432 = arith.addf %get3A_428, %get3A_431 : vector<16xf32>
        %max3A_433 = arith.constant 0.000000e+00 : f32
        %max3A_434 = vector.broadcast %max3A_433 : f32 to vector<16xf32>
        %max3A_435 = arith.maximumf %add3A_432, %max3A_434 : vector<16xf32>
        %get3A_436 = arith.index_cast %add3A_415 : i32 to index
        %get3A_437 = arith.constant 32 : index
        %get3A_438 = tpu.vector_load %arg10[%get3A_436, %get3A_437] {strides = array<i32>} : memref<80x64xf32, #tpu.memory_space<vmem>>, vector<16xf32>,
        %get3A_439 = arith.index_cast %add3A_415 : i32 to index
        %get3A_440 = arith.constant 32 : index
        %get3A_441 = tpu.vector_load %arg11[%get3A_439, %get3A_440] {strides = array<i32>} : memref<80x64xf32, #tpu.memory_space<vmem>>, vector<16xf32>,
        %add3A_442 = arith.addf %get3A_438, %get3A_441 : vector<16xf32>
        %max3A_443 = arith.constant 0.000000e+00 : f32
        %max3A_444 = vector.broadcast %max3A_443 : f32 to vector<16xf32>
        %max3A_445 = arith.maximumf %add3A_442, %max3A_444 : vector<16xf32>
        %get3A_446 = arith.index_cast %add3A_415 : i32 to index
        %get3A_447 = arith.constant 48 : index
        %get3A_448 = tpu.vector_load %arg10[%get3A_446, %get3A_447] {strides = array<i32>} : memref<80x64xf32, #tpu.memory_space<vmem>>, vector<16xf32>,
        %get3A_449 = arith.index_cast %add3A_415 : i32 to index
        %get3A_450 = arith.constant 48 : index
        %get3A_451 = tpu.vector_load %arg11[%get3A_449, %get3A_450] {strides = array<i32>} : memref<80x64xf32, #tpu.memory_space<vmem>>, vector<16xf32>,
        %add3A_452 = arith.addf %get3A_448, %get3A_451 : vector<16xf32>
        %max3A_453 = arith.constant 0.000000e+00 : f32
        %max3A_454 = vector.broadcast %max3A_453 : f32 to vector<16xf32>
        %max3A_455 = arith.maximumf %add3A_452, %max3A_454 : vector<16xf32>
        %mul3A_456 = arith.mulf %max3A_425, %get3A_3 : vector<16xf32>
        %mul3A_457 = arith.mulf %max3A_435, %get3A_5 : vector<16xf32>
        %add3A_458 = arith.addf %mul3A_456, %mul3A_457 : vector<16xf32>
        %mul3A_459 = arith.mulf %max3A_445, %get3A_7 : vector<16xf32>
        %add3A_460 = arith.addf %add3A_458, %mul3A_459 : vector<16xf32>
        %mul3A_461 = arith.mulf %max3A_455, %get3A_9 : vector<16xf32>
        %add3A_462 = arith.addf %add3A_460, %mul3A_461 : vector<16xf32>
        %add3A_463 = arith.constant 7 : i32
        %add3A_464 = vector.broadcast %add3A_463 : i32 to vector<16xi32>
        %add3A_465 = arith.addi %mul3A_14, %add3A_464 : vector<16xi32>
        tpu.vector_store_idx %arg14[%add3A_465], %add3A_462 : memref<256xf32, #tpu.memory_space<vmem>>[vector<16xi32>], vector<16xf32>,
        %add3A_466 = arith.constant 8 : i32
        %add3A_467 = arith.addi %mul3A_50, %add3A_466 : i32
        %get3A_468 = arith.index_cast %add3A_467 : i32 to index
        %get3A_469 = arith.constant 0 : index
        %get3A_470 = tpu.vector_load %arg10[%get3A_468, %get3A_469] {strides = array<i32>} : memref<80x64xf32, #tpu.memory_space<vmem>>, vector<16xf32>,
        %get3A_471 = arith.index_cast %add3A_467 : i32 to index
        %get3A_472 = arith.constant 0 : index
        %get3A_473 = tpu.vector_load %arg11[%get3A_471, %get3A_472] {strides = array<i32>} : memref<80x64xf32, #tpu.memory_space<vmem>>, vector<16xf32>,
        %add3A_474 = arith.addf %get3A_470, %get3A_473 : vector<16xf32>
        %max3A_475 = arith.constant 0.000000e+00 : f32
        %max3A_476 = vector.broadcast %max3A_475 : f32 to vector<16xf32>
        %max3A_477 = arith.maximumf %add3A_474, %max3A_476 : vector<16xf32>
        %get3A_478 = arith.index_cast %add3A_467 : i32 to index
        %get3A_479 = arith.constant 16 : index
        %get3A_480 = tpu.vector_load %arg10[%get3A_478, %get3A_479] {strides = array<i32>} : memref<80x64xf32, #tpu.memory_space<vmem>>, vector<16xf32>,
        %get3A_481 = arith.index_cast %add3A_467 : i32 to index
        %get3A_482 = arith.constant 16 : index
        %get3A_483 = tpu.vector_load %arg11[%get3A_481, %get3A_482] {strides = array<i32>} : memref<80x64xf32, #tpu.memory_space<vmem>>, vector<16xf32>,
        %add3A_484 = arith.addf %get3A_480, %get3A_483 : vector<16xf32>
        %max3A_485 = arith.constant 0.000000e+00 : f32
        %max3A_486 = vector.broadcast %max3A_485 : f32 to vector<16xf32>
        %max3A_487 = arith.maximumf %add3A_484, %max3A_486 : vector<16xf32>
        %get3A_488 = arith.index_cast %add3A_467 : i32 to index
        %get3A_489 = arith.constant 32 : index
        %get3A_490 = tpu.vector_load %arg10[%get3A_488, %get3A_489] {strides = array<i32>} : memref<80x64xf32, #tpu.memory_space<vmem>>, vector<16xf32>,
        %get3A_491 = arith.index_cast %add3A_467 : i32 to index
        %get3A_492 = arith.constant 32 : index
        %get3A_493 = tpu.vector_load %arg11[%get3A_491, %get3A_492] {strides = array<i32>} : memref<80x64xf32, #tpu.memory_space<vmem>>, vector<16xf32>,
        %add3A_494 = arith.addf %get3A_490, %get3A_493 : vector<16xf32>
        %max3A_495 = arith.constant 0.000000e+00 : f32
        %max3A_496 = vector.broadcast %max3A_495 : f32 to vector<16xf32>
        %max3A_497 = arith.maximumf %add3A_494, %max3A_496 : vector<16xf32>
        %get3A_498 = arith.index_cast %add3A_467 : i32 to index
        %get3A_499 = arith.constant 48 : index
        %get3A_500 = tpu.vector_load %arg10[%get3A_498, %get3A_499] {strides = array<i32>} : memref<80x64xf32, #tpu.memory_space<vmem>>, vector<16xf32>,
        %get3A_501 = arith.index_cast %add3A_467 : i32 to index
        %get3A_502 = arith.constant 48 : index
        %get3A_503 = tpu.vector_load %arg11[%get3A_501, %get3A_502] {strides = array<i32>} : memref<80x64xf32, #tpu.memory_space<vmem>>, vector<16xf32>,
        %add3A_504 = arith.addf %get3A_500, %get3A_503 : vector<16xf32>
        %max3A_505 = arith.constant 0.000000e+00 : f32
        %max3A_506 = vector.broadcast %max3A_505 : f32 to vector<16xf32>
        %max3A_507 = arith.maximumf %add3A_504, %max3A_506 : vector<16xf32>
        %mul3A_508 = arith.mulf %max3A_477, %get3A_3 : vector<16xf32>
        %mul3A_509 = arith.mulf %max3A_487, %get3A_5 : vector<16xf32>
        %add3A_510 = arith.addf %mul3A_508, %mul3A_509 : vector<16xf32>
        %mul3A_511 = arith.mulf %max3A_497, %get3A_7 : vector<16xf32>
        %add3A_512 = arith.addf %add3A_510, %mul3A_511 : vector<16xf32>
        %mul3A_513 = arith.mulf %max3A_507, %get3A_9 : vector<16xf32>
        %add3A_514 = arith.addf %add3A_512, %mul3A_513 : vector<16xf32>
        %add3A_515 = arith.constant 8 : i32
        %add3A_516 = vector.broadcast %add3A_515 : i32 to vector<16xi32>
        %add3A_517 = arith.addi %mul3A_14, %add3A_516 : vector<16xi32>
        tpu.vector_store_idx %arg14[%add3A_517], %add3A_514 : memref<256xf32, #tpu.memory_space<vmem>>[vector<16xi32>], vector<16xf32>,
        %add3A_518 = arith.constant 9 : i32
        %add3A_519 = arith.addi %mul3A_50, %add3A_518 : i32
        %get3A_520 = arith.index_cast %add3A_519 : i32 to index
        %get3A_521 = arith.constant 0 : index
        %get3A_522 = tpu.vector_load %arg10[%get3A_520, %get3A_521] {strides = array<i32>} : memref<80x64xf32, #tpu.memory_space<vmem>>, vector<16xf32>,
        %get3A_523 = arith.index_cast %add3A_519 : i32 to index
        %get3A_524 = arith.constant 0 : index
        %get3A_525 = tpu.vector_load %arg11[%get3A_523, %get3A_524] {strides = array<i32>} : memref<80x64xf32, #tpu.memory_space<vmem>>, vector<16xf32>,
        %add3A_526 = arith.addf %get3A_522, %get3A_525 : vector<16xf32>
        %max3A_527 = arith.constant 0.000000e+00 : f32
        %max3A_528 = vector.broadcast %max3A_527 : f32 to vector<16xf32>
        %max3A_529 = arith.maximumf %add3A_526, %max3A_528 : vector<16xf32>
        %get3A_530 = arith.index_cast %add3A_519 : i32 to index
        %get3A_531 = arith.constant 16 : index
        %get3A_532 = tpu.vector_load %arg10[%get3A_530, %get3A_531] {strides = array<i32>} : memref<80x64xf32, #tpu.memory_space<vmem>>, vector<16xf32>,
        %get3A_533 = arith.index_cast %add3A_519 : i32 to index
        %get3A_534 = arith.constant 16 : index
        %get3A_535 = tpu.vector_load %arg11[%get3A_533, %get3A_534] {strides = array<i32>} : memref<80x64xf32, #tpu.memory_space<vmem>>, vector<16xf32>,
        %add3A_536 = arith.addf %get3A_532, %get3A_535 : vector<16xf32>
        %max3A_537 = arith.constant 0.000000e+00 : f32
        %max3A_538 = vector.broadcast %max3A_537 : f32 to vector<16xf32>
        %max3A_539 = arith.maximumf %add3A_536, %max3A_538 : vector<16xf32>
        %get3A_540 = arith.index_cast %add3A_519 : i32 to index
        %get3A_541 = arith.constant 32 : index
        %get3A_542 = tpu.vector_load %arg10[%get3A_540, %get3A_541] {strides = array<i32>} : memref<80x64xf32, #tpu.memory_space<vmem>>, vector<16xf32>,
        %get3A_543 = arith.index_cast %add3A_519 : i32 to index
        %get3A_544 = arith.constant 32 : index
        %get3A_545 = tpu.vector_load %arg11[%get3A_543, %get3A_544] {strides = array<i32>} : memref<80x64xf32, #tpu.memory_space<vmem>>, vector<16xf32>,
        %add3A_546 = arith.addf %get3A_542, %get3A_545 : vector<16xf32>
        %max3A_547 = arith.constant 0.000000e+00 : f32
        %max3A_548 = vector.broadcast %max3A_547 : f32 to vector<16xf32>
        %max3A_549 = arith.maximumf %add3A_546, %max3A_548 : vector<16xf32>
        %get3A_550 = arith.index_cast %add3A_519 : i32 to index
        %get3A_551 = arith.constant 48 : index
        %get3A_552 = tpu.vector_load %arg10[%get3A_550, %get3A_551] {strides = array<i32>} : memref<80x64xf32, #tpu.memory_space<vmem>>, vector<16xf32>,
        %get3A_553 = arith.index_cast %add3A_519 : i32 to index
        %get3A_554 = arith.constant 48 : index
        %get3A_555 = tpu.vector_load %arg11[%get3A_553, %get3A_554] {strides = array<i32>} : memref<80x64xf32, #tpu.memory_space<vmem>>, vector<16xf32>,
        %add3A_556 = arith.addf %get3A_552, %get3A_555 : vector<16xf32>
        %max3A_557 = arith.constant 0.000000e+00 : f32
        %max3A_558 = vector.broadcast %max3A_557 : f32 to vector<16xf32>
        %max3A_559 = arith.maximumf %add3A_556, %max3A_558 : vector<16xf32>
        %mul3A_560 = arith.mulf %max3A_529, %get3A_3 : vector<16xf32>
        %mul3A_561 = arith.mulf %max3A_539, %get3A_5 : vector<16xf32>
        %add3A_562 = arith.addf %mul3A_560, %mul3A_561 : vector<16xf32>
        %mul3A_563 = arith.mulf %max3A_549, %get3A_7 : vector<16xf32>
        %add3A_564 = arith.addf %add3A_562, %mul3A_563 : vector<16xf32>
        %mul3A_565 = arith.mulf %max3A_559, %get3A_9 : vector<16xf32>
        %add3A_566 = arith.addf %add3A_564, %mul3A_565 : vector<16xf32>
        %add3A_567 = arith.constant 9 : i32
        %add3A_568 = vector.broadcast %add3A_567 : i32 to vector<16xi32>
        %add3A_569 = arith.addi %mul3A_14, %add3A_568 : vector<16xi32>
        tpu.vector_store_idx %arg14[%add3A_569], %add3A_566 : memref<256xf32, #tpu.memory_space<vmem>>[vector<16xi32>], vector<16xf32>,
        %add3A_570 = arith.constant 10 : i32
        %add3A_571 = arith.addi %mul3A_50, %add3A_570 : i32
        %get3A_572 = arith.index_cast %add3A_571 : i32 to index
        %get3A_573 = arith.constant 0 : index
        %get3A_574 = tpu.vector_load %arg10[%get3A_572, %get3A_573] {strides = array<i32>} : memref<80x64xf32, #tpu.memory_space<vmem>>, vector<16xf32>,
        %get3A_575 = arith.index_cast %add3A_571 : i32 to index
        %get3A_576 = arith.constant 0 : index
        %get3A_577 = tpu.vector_load %arg11[%get3A_575, %get3A_576] {strides = array<i32>} : memref<80x64xf32, #tpu.memory_space<vmem>>, vector<16xf32>,
        %add3A_578 = arith.addf %get3A_574, %get3A_577 : vector<16xf32>
        %max3A_579 = arith.constant 0.000000e+00 : f32
        %max3A_580 = vector.broadcast %max3A_579 : f32 to vector<16xf32>
        %max3A_581 = arith.maximumf %add3A_578, %max3A_580 : vector<16xf32>
        %get3A_582 = arith.index_cast %add3A_571 : i32 to index
        %get3A_583 = arith.constant 16 : index
        %get3A_584 = tpu.vector_load %arg10[%get3A_582, %get3A_583] {strides = array<i32>} : memref<80x64xf32, #tpu.memory_space<vmem>>, vector<16xf32>,
        %get3A_585 = arith.index_cast %add3A_571 : i32 to index
        %get3A_586 = arith.constant 16 : index
        %get3A_587 = tpu.vector_load %arg11[%get3A_585, %get3A_586] {strides = array<i32>} : memref<80x64xf32, #tpu.memory_space<vmem>>, vector<16xf32>,
        %add3A_588 = arith.addf %get3A_584, %get3A_587 : vector<16xf32>
        %max3A_589 = arith.constant 0.000000e+00 : f32
        %max3A_590 = vector.broadcast %max3A_589 : f32 to vector<16xf32>
        %max3A_591 = arith.maximumf %add3A_588, %max3A_590 : vector<16xf32>
        %get3A_592 = arith.index_cast %add3A_571 : i32 to index
        %get3A_593 = arith.constant 32 : index
        %get3A_594 = tpu.vector_load %arg10[%get3A_592, %get3A_593] {strides = array<i32>} : memref<80x64xf32, #tpu.memory_space<vmem>>, vector<16xf32>,
        %get3A_595 = arith.index_cast %add3A_571 : i32 to index
        %get3A_596 = arith.constant 32 : index
        %get3A_597 = tpu.vector_load %arg11[%get3A_595, %get3A_596] {strides = array<i32>} : memref<80x64xf32, #tpu.memory_space<vmem>>, vector<16xf32>,
        %add3A_598 = arith.addf %get3A_594, %get3A_597 : vector<16xf32>
        %max3A_599 = arith.constant 0.000000e+00 : f32
        %max3A_600 = vector.broadcast %max3A_599 : f32 to vector<16xf32>
        %max3A_601 = arith.maximumf %add3A_598, %max3A_600 : vector<16xf32>
        %get3A_602 = arith.index_cast %add3A_571 : i32 to index
        %get3A_603 = arith.constant 48 : index
        %get3A_604 = tpu.vector_load %arg10[%get3A_602, %get3A_603] {strides = array<i32>} : memref<80x64xf32, #tpu.memory_space<vmem>>, vector<16xf32>,
        %get3A_605 = arith.index_cast %add3A_571 : i32 to index
        %get3A_606 = arith.constant 48 : index
        %get3A_607 = tpu.vector_load %arg11[%get3A_605, %get3A_606] {strides = array<i32>} : memref<80x64xf32, #tpu.memory_space<vmem>>, vector<16xf32>,
        %add3A_608 = arith.addf %get3A_604, %get3A_607 : vector<16xf32>
        %max3A_609 = arith.constant 0.000000e+00 : f32
        %max3A_610 = vector.broadcast %max3A_609 : f32 to vector<16xf32>
        %max3A_611 = arith.maximumf %add3A_608, %max3A_610 : vector<16xf32>
        %mul3A_612 = arith.mulf %max3A_581, %get3A_3 : vector<16xf32>
        %mul3A_613 = arith.mulf %max3A_591, %get3A_5 : vector<16xf32>
        %add3A_614 = arith.addf %mul3A_612, %mul3A_613 : vector<16xf32>
        %mul3A_615 = arith.mulf %max3A_601, %get3A_7 : vector<16xf32>
        %add3A_616 = arith.addf %add3A_614, %mul3A_615 : vector<16xf32>
        %mul3A_617 = arith.mulf %max3A_611, %get3A_9 : vector<16xf32>
        %add3A_618 = arith.addf %add3A_616, %mul3A_617 : vector<16xf32>
        %add3A_619 = arith.constant 10 : i32
        %add3A_620 = vector.broadcast %add3A_619 : i32 to vector<16xi32>
        %add3A_621 = arith.addi %mul3A_14, %add3A_620 : vector<16xi32>
        tpu.vector_store_idx %arg14[%add3A_621], %add3A_618 : memref<256xf32, #tpu.memory_space<vmem>>[vector<16xi32>], vector<16xf32>,
        %add3A_622 = arith.constant 11 : i32
        %add3A_623 = arith.addi %mul3A_50, %add3A_622 : i32
        %get3A_624 = arith.index_cast %add3A_623 : i32 to index
        %get3A_625 = arith.constant 0 : index
        %get3A_626 = tpu.vector_load %arg10[%get3A_624, %get3A_625] {strides = array<i32>} : memref<80x64xf32, #tpu.memory_space<vmem>>, vector<16xf32>,
        %get3A_627 = arith.index_cast %add3A_623 : i32 to index
        %get3A_628 = arith.constant 0 : index
        %get3A_629 = tpu.vector_load %arg11[%get3A_627, %get3A_628] {strides = array<i32>} : memref<80x64xf32, #tpu.memory_space<vmem>>, vector<16xf32>,
        %add3A_630 = arith.addf %get3A_626, %get3A_629 : vector<16xf32>
        %max3A_631 = arith.constant 0.000000e+00 : f32
        %max3A_632 = vector.broadcast %max3A_631 : f32 to vector<16xf32>
        %max3A_633 = arith.maximumf %add3A_630, %max3A_632 : vector<16xf32>
        %get3A_634 = arith.index_cast %add3A_623 : i32 to index
        %get3A_635 = arith.constant 16 : index
        %get3A_636 = tpu.vector_load %arg10[%get3A_634, %get3A_635] {strides = array<i32>} : memref<80x64xf32, #tpu.memory_space<vmem>>, vector<16xf32>,
        %get3A_637 = arith.index_cast %add3A_623 : i32 to index
        %get3A_638 = arith.constant 16 : index
        %get3A_639 = tpu.vector_load %arg11[%get3A_637, %get3A_638] {strides = array<i32>} : memref<80x64xf32, #tpu.memory_space<vmem>>, vector<16xf32>,
        %add3A_640 = arith.addf %get3A_636, %get3A_639 : vector<16xf32>
        %max3A_641 = arith.constant 0.000000e+00 : f32
        %max3A_642 = vector.broadcast %max3A_641 : f32 to vector<16xf32>
        %max3A_643 = arith.maximumf %add3A_640, %max3A_642 : vector<16xf32>
        %get3A_644 = arith.index_cast %add3A_623 : i32 to index
        %get3A_645 = arith.constant 32 : index
        %get3A_646 = tpu.vector_load %arg10[%get3A_644, %get3A_645] {strides = array<i32>} : memref<80x64xf32, #tpu.memory_space<vmem>>, vector<16xf32>,
        %get3A_647 = arith.index_cast %add3A_623 : i32 to index
        %get3A_648 = arith.constant 32 : index
        %get3A_649 = tpu.vector_load %arg11[%get3A_647, %get3A_648] {strides = array<i32>} : memref<80x64xf32, #tpu.memory_space<vmem>>, vector<16xf32>,
        %add3A_650 = arith.addf %get3A_646, %get3A_649 : vector<16xf32>
        %max3A_651 = arith.constant 0.000000e+00 : f32
        %max3A_652 = vector.broadcast %max3A_651 : f32 to vector<16xf32>
        %max3A_653 = arith.maximumf %add3A_650, %max3A_652 : vector<16xf32>
        %get3A_654 = arith.index_cast %add3A_623 : i32 to index
        %get3A_655 = arith.constant 48 : index
        %get3A_656 = tpu.vector_load %arg10[%get3A_654, %get3A_655] {strides = array<i32>} : memref<80x64xf32, #tpu.memory_space<vmem>>, vector<16xf32>,
        %get3A_657 = arith.index_cast %add3A_623 : i32 to index
        %get3A_658 = arith.constant 48 : index
        %get3A_659 = tpu.vector_load %arg11[%get3A_657, %get3A_658] {strides = array<i32>} : memref<80x64xf32, #tpu.memory_space<vmem>>, vector<16xf32>,
        %add3A_660 = arith.addf %get3A_656, %get3A_659 : vector<16xf32>
        %max3A_661 = arith.constant 0.000000e+00 : f32
        %max3A_662 = vector.broadcast %max3A_661 : f32 to vector<16xf32>
        %max3A_663 = arith.maximumf %add3A_660, %max3A_662 : vector<16xf32>
        %mul3A_664 = arith.mulf %max3A_633, %get3A_3 : vector<16xf32>
        %mul3A_665 = arith.mulf %max3A_643, %get3A_5 : vector<16xf32>
        %add3A_666 = arith.addf %mul3A_664, %mul3A_665 : vector<16xf32>
        %mul3A_667 = arith.mulf %max3A_653, %get3A_7 : vector<16xf32>
        %add3A_668 = arith.addf %add3A_666, %mul3A_667 : vector<16xf32>
        %mul3A_669 = arith.mulf %max3A_663, %get3A_9 : vector<16xf32>
        %add3A_670 = arith.addf %add3A_668, %mul3A_669 : vector<16xf32>
        %add3A_671 = arith.constant 11 : i32
        %add3A_672 = vector.broadcast %add3A_671 : i32 to vector<16xi32>
        %add3A_673 = arith.addi %mul3A_14, %add3A_672 : vector<16xi32>
        tpu.vector_store_idx %arg14[%add3A_673], %add3A_670 : memref<256xf32, #tpu.memory_space<vmem>>[vector<16xi32>], vector<16xf32>,
        %add3A_674 = arith.constant 12 : i32
        %add3A_675 = arith.addi %mul3A_50, %add3A_674 : i32
        %get3A_676 = arith.index_cast %add3A_675 : i32 to index
        %get3A_677 = arith.constant 0 : index
        %get3A_678 = tpu.vector_load %arg10[%get3A_676, %get3A_677] {strides = array<i32>} : memref<80x64xf32, #tpu.memory_space<vmem>>, vector<16xf32>,
        %get3A_679 = arith.index_cast %add3A_675 : i32 to index
        %get3A_680 = arith.constant 0 : index
        %get3A_681 = tpu.vector_load %arg11[%get3A_679, %get3A_680] {strides = array<i32>} : memref<80x64xf32, #tpu.memory_space<vmem>>, vector<16xf32>,
        %add3A_682 = arith.addf %get3A_678, %get3A_681 : vector<16xf32>
        %max3A_683 = arith.constant 0.000000e+00 : f32
        %max3A_684 = vector.broadcast %max3A_683 : f32 to vector<16xf32>
        %max3A_685 = arith.maximumf %add3A_682, %max3A_684 : vector<16xf32>
        %get3A_686 = arith.index_cast %add3A_675 : i32 to index
        %get3A_687 = arith.constant 16 : index
        %get3A_688 = tpu.vector_load %arg10[%get3A_686, %get3A_687] {strides = array<i32>} : memref<80x64xf32, #tpu.memory_space<vmem>>, vector<16xf32>,
        %get3A_689 = arith.index_cast %add3A_675 : i32 to index
        %get3A_690 = arith.constant 16 : index
        %get3A_691 = tpu.vector_load %arg11[%get3A_689, %get3A_690] {strides = array<i32>} : memref<80x64xf32, #tpu.memory_space<vmem>>, vector<16xf32>,
        %add3A_692 = arith.addf %get3A_688, %get3A_691 : vector<16xf32>
        %max3A_693 = arith.constant 0.000000e+00 : f32
        %max3A_694 = vector.broadcast %max3A_693 : f32 to vector<16xf32>
        %max3A_695 = arith.maximumf %add3A_692, %max3A_694 : vector<16xf32>
        %get3A_696 = arith.index_cast %add3A_675 : i32 to index
        %get3A_697 = arith.constant 32 : index
        %get3A_698 = tpu.vector_load %arg10[%get3A_696, %get3A_697] {strides = array<i32>} : memref<80x64xf32, #tpu.memory_space<vmem>>, vector<16xf32>,
        %get3A_699 = arith.index_cast %add3A_675 : i32 to index
        %get3A_700 = arith.constant 32 : index
        %get3A_701 = tpu.vector_load %arg11[%get3A_699, %get3A_700] {strides = array<i32>} : memref<80x64xf32, #tpu.memory_space<vmem>>, vector<16xf32>,
        %add3A_702 = arith.addf %get3A_698, %get3A_701 : vector<16xf32>
        %max3A_703 = arith.constant 0.000000e+00 : f32
        %max3A_704 = vector.broadcast %max3A_703 : f32 to vector<16xf32>
        %max3A_705 = arith.maximumf %add3A_702, %max3A_704 : vector<16xf32>
        %get3A_706 = arith.index_cast %add3A_675 : i32 to index
        %get3A_707 = arith.constant 48 : index
        %get3A_708 = tpu.vector_load %arg10[%get3A_706, %get3A_707] {strides = array<i32>} : memref<80x64xf32, #tpu.memory_space<vmem>>, vector<16xf32>,
        %get3A_709 = arith.index_cast %add3A_675 : i32 to index
        %get3A_710 = arith.constant 48 : index
        %get3A_711 = tpu.vector_load %arg11[%get3A_709, %get3A_710] {strides = array<i32>} : memref<80x64xf32, #tpu.memory_space<vmem>>, vector<16xf32>,
        %add3A_712 = arith.addf %get3A_708, %get3A_711 : vector<16xf32>
        %max3A_713 = arith.constant 0.000000e+00 : f32
        %max3A_714 = vector.broadcast %max3A_713 : f32 to vector<16xf32>
        %max3A_715 = arith.maximumf %add3A_712, %max3A_714 : vector<16xf32>
        %mul3A_716 = arith.mulf %max3A_685, %get3A_3 : vector<16xf32>
        %mul3A_717 = arith.mulf %max3A_695, %get3A_5 : vector<16xf32>
        %add3A_718 = arith.addf %mul3A_716, %mul3A_717 : vector<16xf32>
        %mul3A_719 = arith.mulf %max3A_705, %get3A_7 : vector<16xf32>
        %add3A_720 = arith.addf %add3A_718, %mul3A_719 : vector<16xf32>
        %mul3A_721 = arith.mulf %max3A_715, %get3A_9 : vector<16xf32>
        %add3A_722 = arith.addf %add3A_720, %mul3A_721 : vector<16xf32>
        %add3A_723 = arith.constant 12 : i32
        %add3A_724 = vector.broadcast %add3A_723 : i32 to vector<16xi32>
        %add3A_725 = arith.addi %mul3A_14, %add3A_724 : vector<16xi32>
        tpu.vector_store_idx %arg14[%add3A_725], %add3A_722 : memref<256xf32, #tpu.memory_space<vmem>>[vector<16xi32>], vector<16xf32>,
        %add3A_726 = arith.constant 13 : i32
        %add3A_727 = arith.addi %mul3A_50, %add3A_726 : i32
        %get3A_728 = arith.index_cast %add3A_727 : i32 to index
        %get3A_729 = arith.constant 0 : index
        %get3A_730 = tpu.vector_load %arg10[%get3A_728, %get3A_729] {strides = array<i32>} : memref<80x64xf32, #tpu.memory_space<vmem>>, vector<16xf32>,
        %get3A_731 = arith.index_cast %add3A_727 : i32 to index
        %get3A_732 = arith.constant 0 : index
        %get3A_733 = tpu.vector_load %arg11[%get3A_731, %get3A_732] {strides = array<i32>} : memref<80x64xf32, #tpu.memory_space<vmem>>, vector<16xf32>,
        %add3A_734 = arith.addf %get3A_730, %get3A_733 : vector<16xf32>
        %max3A_735 = arith.constant 0.000000e+00 : f32
        %max3A_736 = vector.broadcast %max3A_735 : f32 to vector<16xf32>
        %max3A_737 = arith.maximumf %add3A_734, %max3A_736 : vector<16xf32>
        %get3A_738 = arith.index_cast %add3A_727 : i32 to index
        %get3A_739 = arith.constant 16 : index
        %get3A_740 = tpu.vector_load %arg10[%get3A_738, %get3A_739] {strides = array<i32>} : memref<80x64xf32, #tpu.memory_space<vmem>>, vector<16xf32>,
        %get3A_741 = arith.index_cast %add3A_727 : i32 to index
        %get3A_742 = arith.constant 16 : index
        %get3A_743 = tpu.vector_load %arg11[%get3A_741, %get3A_742] {strides = array<i32>} : memref<80x64xf32, #tpu.memory_space<vmem>>, vector<16xf32>,
        %add3A_744 = arith.addf %get3A_740, %get3A_743 : vector<16xf32>
        %max3A_745 = arith.constant 0.000000e+00 : f32
        %max3A_746 = vector.broadcast %max3A_745 : f32 to vector<16xf32>
        %max3A_747 = arith.maximumf %add3A_744, %max3A_746 : vector<16xf32>
        %get3A_748 = arith.index_cast %add3A_727 : i32 to index
        %get3A_749 = arith.constant 32 : index
        %get3A_750 = tpu.vector_load %arg10[%get3A_748, %get3A_749] {strides = array<i32>} : memref<80x64xf32, #tpu.memory_space<vmem>>, vector<16xf32>,
        %get3A_751 = arith.index_cast %add3A_727 : i32 to index
        %get3A_752 = arith.constant 32 : index
        %get3A_753 = tpu.vector_load %arg11[%get3A_751, %get3A_752] {strides = array<i32>} : memref<80x64xf32, #tpu.memory_space<vmem>>, vector<16xf32>,
        %add3A_754 = arith.addf %get3A_750, %get3A_753 : vector<16xf32>
        %max3A_755 = arith.constant 0.000000e+00 : f32
        %max3A_756 = vector.broadcast %max3A_755 : f32 to vector<16xf32>
        %max3A_757 = arith.maximumf %add3A_754, %max3A_756 : vector<16xf32>
        %get3A_758 = arith.index_cast %add3A_727 : i32 to index
        %get3A_759 = arith.constant 48 : index
        %get3A_760 = tpu.vector_load %arg10[%get3A_758, %get3A_759] {strides = array<i32>} : memref<80x64xf32, #tpu.memory_space<vmem>>, vector<16xf32>,
        %get3A_761 = arith.index_cast %add3A_727 : i32 to index
        %get3A_762 = arith.constant 48 : index
        %get3A_763 = tpu.vector_load %arg11[%get3A_761, %get3A_762] {strides = array<i32>} : memref<80x64xf32, #tpu.memory_space<vmem>>, vector<16xf32>,
        %add3A_764 = arith.addf %get3A_760, %get3A_763 : vector<16xf32>
        %max3A_765 = arith.constant 0.000000e+00 : f32
        %max3A_766 = vector.broadcast %max3A_765 : f32 to vector<16xf32>
        %max3A_767 = arith.maximumf %add3A_764, %max3A_766 : vector<16xf32>
        %mul3A_768 = arith.mulf %max3A_737, %get3A_3 : vector<16xf32>
        %mul3A_769 = arith.mulf %max3A_747, %get3A_5 : vector<16xf32>
        %add3A_770 = arith.addf %mul3A_768, %mul3A_769 : vector<16xf32>
        %mul3A_771 = arith.mulf %max3A_757, %get3A_7 : vector<16xf32>
        %add3A_772 = arith.addf %add3A_770, %mul3A_771 : vector<16xf32>
        %mul3A_773 = arith.mulf %max3A_767, %get3A_9 : vector<16xf32>
        %add3A_774 = arith.addf %add3A_772, %mul3A_773 : vector<16xf32>
        %add3A_775 = arith.constant 13 : i32
        %add3A_776 = vector.broadcast %add3A_775 : i32 to vector<16xi32>
        %add3A_777 = arith.addi %mul3A_14, %add3A_776 : vector<16xi32>
        tpu.vector_store_idx %arg14[%add3A_777], %add3A_774 : memref<256xf32, #tpu.memory_space<vmem>>[vector<16xi32>], vector<16xf32>,
        %add3A_778 = arith.constant 14 : i32
        %add3A_779 = arith.addi %mul3A_50, %add3A_778 : i32
        %get3A_780 = arith.index_cast %add3A_779 : i32 to index
        %get3A_781 = arith.constant 0 : index
        %get3A_782 = tpu.vector_load %arg10[%get3A_780, %get3A_781] {strides = array<i32>} : memref<80x64xf32, #tpu.memory_space<vmem>>, vector<16xf32>,
        %get3A_783 = arith.index_cast %add3A_779 : i32 to index
        %get3A_784 = arith.constant 0 : index
        %get3A_785 = tpu.vector_load %arg11[%get3A_783, %get3A_784] {strides = array<i32>} : memref<80x64xf32, #tpu.memory_space<vmem>>, vector<16xf32>,
        %add3A_786 = arith.addf %get3A_782, %get3A_785 : vector<16xf32>
        %max3A_787 = arith.constant 0.000000e+00 : f32
        %max3A_788 = vector.broadcast %max3A_787 : f32 to vector<16xf32>
        %max3A_789 = arith.maximumf %add3A_786, %max3A_788 : vector<16xf32>
        %get3A_790 = arith.index_cast %add3A_779 : i32 to index
        %get3A_791 = arith.constant 16 : index
        %get3A_792 = tpu.vector_load %arg10[%get3A_790, %get3A_791] {strides = array<i32>} : memref<80x64xf32, #tpu.memory_space<vmem>>, vector<16xf32>,
        %get3A_793 = arith.index_cast %add3A_779 : i32 to index
        %get3A_794 = arith.constant 16 : index
        %get3A_795 = tpu.vector_load %arg11[%get3A_793, %get3A_794] {strides = array<i32>} : memref<80x64xf32, #tpu.memory_space<vmem>>, vector<16xf32>,
        %add3A_796 = arith.addf %get3A_792, %get3A_795 : vector<16xf32>
        %max3A_797 = arith.constant 0.000000e+00 : f32
        %max3A_798 = vector.broadcast %max3A_797 : f32 to vector<16xf32>
        %max3A_799 = arith.maximumf %add3A_796, %max3A_798 : vector<16xf32>
        %get3A_800 = arith.index_cast %add3A_779 : i32 to index
        %get3A_801 = arith.constant 32 : index
        %get3A_802 = tpu.vector_load %arg10[%get3A_800, %get3A_801] {strides = array<i32>} : memref<80x64xf32, #tpu.memory_space<vmem>>, vector<16xf32>,
        %get3A_803 = arith.index_cast %add3A_779 : i32 to index
        %get3A_804 = arith.constant 32 : index
        %get3A_805 = tpu.vector_load %arg11[%get3A_803, %get3A_804] {strides = array<i32>} : memref<80x64xf32, #tpu.memory_space<vmem>>, vector<16xf32>,
        %add3A_806 = arith.addf %get3A_802, %get3A_805 : vector<16xf32>
        %max3A_807 = arith.constant 0.000000e+00 : f32
        %max3A_808 = vector.broadcast %max3A_807 : f32 to vector<16xf32>
        %max3A_809 = arith.maximumf %add3A_806, %max3A_808 : vector<16xf32>
        %get3A_810 = arith.index_cast %add3A_779 : i32 to index
        %get3A_811 = arith.constant 48 : index
        %get3A_812 = tpu.vector_load %arg10[%get3A_810, %get3A_811] {strides = array<i32>} : memref<80x64xf32, #tpu.memory_space<vmem>>, vector<16xf32>,
        %get3A_813 = arith.index_cast %add3A_779 : i32 to index
        %get3A_814 = arith.constant 48 : index
        %get3A_815 = tpu.vector_load %arg11[%get3A_813, %get3A_814] {strides = array<i32>} : memref<80x64xf32, #tpu.memory_space<vmem>>, vector<16xf32>,
        %add3A_816 = arith.addf %get3A_812, %get3A_815 : vector<16xf32>
        %max3A_817 = arith.constant 0.000000e+00 : f32
        %max3A_818 = vector.broadcast %max3A_817 : f32 to vector<16xf32>
        %max3A_819 = arith.maximumf %add3A_816, %max3A_818 : vector<16xf32>
        %mul3A_820 = arith.mulf %max3A_789, %get3A_3 : vector<16xf32>
        %mul3A_821 = arith.mulf %max3A_799, %get3A_5 : vector<16xf32>
        %add3A_822 = arith.addf %mul3A_820, %mul3A_821 : vector<16xf32>
        %mul3A_823 = arith.mulf %max3A_809, %get3A_7 : vector<16xf32>
        %add3A_824 = arith.addf %add3A_822, %mul3A_823 : vector<16xf32>
        %mul3A_825 = arith.mulf %max3A_819, %get3A_9 : vector<16xf32>
        %add3A_826 = arith.addf %add3A_824, %mul3A_825 : vector<16xf32>
        %add3A_827 = arith.constant 14 : i32
        %add3A_828 = vector.broadcast %add3A_827 : i32 to vector<16xi32>
        %add3A_829 = arith.addi %mul3A_14, %add3A_828 : vector<16xi32>
        tpu.vector_store_idx %arg14[%add3A_829], %add3A_826 : memref<256xf32, #tpu.memory_space<vmem>>[vector<16xi32>], vector<16xf32>,
        %add3A_830 = arith.constant 15 : i32
        %add3A_831 = arith.addi %mul3A_50, %add3A_830 : i32
        %get3A_832 = arith.index_cast %add3A_831 : i32 to index
        %get3A_833 = arith.constant 0 : index
        %get3A_834 = tpu.vector_load %arg10[%get3A_832, %get3A_833] {strides = array<i32>} : memref<80x64xf32, #tpu.memory_space<vmem>>, vector<16xf32>,
        %get3A_835 = arith.index_cast %add3A_831 : i32 to index
        %get3A_836 = arith.constant 0 : index
        %get3A_837 = tpu.vector_load %arg11[%get3A_835, %get3A_836] {strides = array<i32>} : memref<80x64xf32, #tpu.memory_space<vmem>>, vector<16xf32>,
        %add3A_838 = arith.addf %get3A_834, %get3A_837 : vector<16xf32>
        %max3A_839 = arith.constant 0.000000e+00 : f32
        %max3A_840 = vector.broadcast %max3A_839 : f32 to vector<16xf32>
        %max3A_841 = arith.maximumf %add3A_838, %max3A_840 : vector<16xf32>
        %get3A_842 = arith.index_cast %add3A_831 : i32 to index
        %get3A_843 = arith.constant 16 : index
        %get3A_844 = tpu.vector_load %arg10[%get3A_842, %get3A_843] {strides = array<i32>} : memref<80x64xf32, #tpu.memory_space<vmem>>, vector<16xf32>,
        %get3A_845 = arith.index_cast %add3A_831 : i32 to index
        %get3A_846 = arith.constant 16 : index
        %get3A_847 = tpu.vector_load %arg11[%get3A_845, %get3A_846] {strides = array<i32>} : memref<80x64xf32, #tpu.memory_space<vmem>>, vector<16xf32>,
        %add3A_848 = arith.addf %get3A_844, %get3A_847 : vector<16xf32>
        %max3A_849 = arith.constant 0.000000e+00 : f32
        %max3A_850 = vector.broadcast %max3A_849 : f32 to vector<16xf32>
        %max3A_851 = arith.maximumf %add3A_848, %max3A_850 : vector<16xf32>
        %get3A_852 = arith.index_cast %add3A_831 : i32 to index
        %get3A_853 = arith.constant 32 : index
        %get3A_854 = tpu.vector_load %arg10[%get3A_852, %get3A_853] {strides = array<i32>} : memref<80x64xf32, #tpu.memory_space<vmem>>, vector<16xf32>,
        %get3A_855 = arith.index_cast %add3A_831 : i32 to index
        %get3A_856 = arith.constant 32 : index
        %get3A_857 = tpu.vector_load %arg11[%get3A_855, %get3A_856] {strides = array<i32>} : memref<80x64xf32, #tpu.memory_space<vmem>>, vector<16xf32>,
        %add3A_858 = arith.addf %get3A_854, %get3A_857 : vector<16xf32>
        %max3A_859 = arith.constant 0.000000e+00 : f32
        %max3A_860 = vector.broadcast %max3A_859 : f32 to vector<16xf32>
        %max3A_861 = arith.maximumf %add3A_858, %max3A_860 : vector<16xf32>
        %get3A_862 = arith.index_cast %add3A_831 : i32 to index
        %get3A_863 = arith.constant 48 : index
        %get3A_864 = tpu.vector_load %arg10[%get3A_862, %get3A_863] {strides = array<i32>} : memref<80x64xf32, #tpu.memory_space<vmem>>, vector<16xf32>,
        %get3A_865 = arith.index_cast %add3A_831 : i32 to index
        %get3A_866 = arith.constant 48 : index
        %get3A_867 = tpu.vector_load %arg11[%get3A_865, %get3A_866] {strides = array<i32>} : memref<80x64xf32, #tpu.memory_space<vmem>>, vector<16xf32>,
        %add3A_868 = arith.addf %get3A_864, %get3A_867 : vector<16xf32>
        %max3A_869 = arith.constant 0.000000e+00 : f32
        %max3A_870 = vector.broadcast %max3A_869 : f32 to vector<16xf32>
        %max3A_871 = arith.maximumf %add3A_868, %max3A_870 : vector<16xf32>
        %mul3A_872 = arith.mulf %max3A_841, %get3A_3 : vector<16xf32>
        %mul3A_873 = arith.mulf %max3A_851, %get3A_5 : vector<16xf32>
        %add3A_874 = arith.addf %mul3A_872, %mul3A_873 : vector<16xf32>
        %mul3A_875 = arith.mulf %max3A_861, %get3A_7 : vector<16xf32>
        %add3A_876 = arith.addf %add3A_874, %mul3A_875 : vector<16xf32>
        %mul3A_877 = arith.mulf %max3A_871, %get3A_9 : vector<16xf32>
        %add3A_878 = arith.addf %add3A_876, %mul3A_877 : vector<16xf32>
        %add3A_879 = arith.constant 15 : i32
        %add3A_880 = vector.broadcast %add3A_879 : i32 to vector<16xi32>
        %add3A_881 = arith.addi %mul3A_14, %add3A_880 : vector<16xi32>
        tpu.vector_store_idx %arg14[%add3A_881], %add3A_878 : memref<256xf32, #tpu.memory_space<vmem>>[vector<16xi32>], vector<16xf32>,
        %get3A_882 = arith.constant 0 : index
        %get3A_883 = tpu.vector_load %arg14[%get3A_882] {strides = array<i32>} : memref<256xf32, #tpu.memory_space<vmem>>, vector<16xf32>,
        %add3A_884 = arith.addf %get3A_11, %get3A_883 : vector<16xf32>
        %get3A_885 = arith.constant 16 : index
        %get3A_886 = tpu.vector_load %arg14[%get3A_885] {strides = array<i32>} : memref<256xf32, #tpu.memory_space<vmem>>, vector<16xf32>,
        %add3A_887 = arith.addf %add3A_884, %get3A_886 : vector<16xf32>
        %get3A_888 = arith.constant 32 : index
        %get3A_889 = tpu.vector_load %arg14[%get3A_888] {strides = array<i32>} : memref<256xf32, #tpu.memory_space<vmem>>, vector<16xf32>,
        %add3A_890 = arith.addf %add3A_887, %get3A_889 : vector<16xf32>
        %get3A_891 = arith.constant 48 : index
        %get3A_892 = tpu.vector_load %arg14[%get3A_891] {strides = array<i32>} : memref<256xf32, #tpu.memory_space<vmem>>, vector<16xf32>,
        %add3A_893 = arith.addf %add3A_890, %get3A_892 : vector<16xf32>
        %get3A_894 = arith.constant 64 : index
        %get3A_895 = tpu.vector_load %arg14[%get3A_894] {strides = array<i32>} : memref<256xf32, #tpu.memory_space<vmem>>, vector<16xf32>,
        %add3A_896 = arith.addf %add3A_893, %get3A_895 : vector<16xf32>
        %get3A_897 = arith.constant 80 : index
        %get3A_898 = tpu.vector_load %arg14[%get3A_897] {strides = array<i32>} : memref<256xf32, #tpu.memory_space<vmem>>, vector<16xf32>,
        %add3A_899 = arith.addf %add3A_896, %get3A_898 : vector<16xf32>
        %get3A_900 = arith.constant 96 : index
        %get3A_901 = tpu.vector_load %arg14[%get3A_900] {strides = array<i32>} : memref<256xf32, #tpu.memory_space<vmem>>, vector<16xf32>,
        %add3A_902 = arith.addf %add3A_899, %get3A_901 : vector<16xf32>
        %get3A_903 = arith.constant 112 : index
        %get3A_904 = tpu.vector_load %arg14[%get3A_903] {strides = array<i32>} : memref<256xf32, #tpu.memory_space<vmem>>, vector<16xf32>,
        %add3A_905 = arith.addf %add3A_902, %get3A_904 : vector<16xf32>
        %get3A_906 = arith.constant 128 : index
        %get3A_907 = tpu.vector_load %arg14[%get3A_906] {strides = array<i32>} : memref<256xf32, #tpu.memory_space<vmem>>, vector<16xf32>,
        %add3A_908 = arith.addf %add3A_905, %get3A_907 : vector<16xf32>
        %get3A_909 = arith.constant 144 : index
        %get3A_910 = tpu.vector_load %arg14[%get3A_909] {strides = array<i32>} : memref<256xf32, #tpu.memory_space<vmem>>, vector<16xf32>,
        %add3A_911 = arith.addf %add3A_908, %get3A_910 : vector<16xf32>
        %get3A_912 = arith.constant 160 : index
        %get3A_913 = tpu.vector_load %arg14[%get3A_912] {strides = array<i32>} : memref<256xf32, #tpu.memory_space<vmem>>, vector<16xf32>,
        %add3A_914 = arith.addf %add3A_911, %get3A_913 : vector<16xf32>
        %get3A_915 = arith.constant 176 : index
        %get3A_916 = tpu.vector_load %arg14[%get3A_915] {strides = array<i32>} : memref<256xf32, #tpu.memory_space<vmem>>, vector<16xf32>,
        %add3A_917 = arith.addf %add3A_914, %get3A_916 : vector<16xf32>
        %get3A_918 = arith.constant 192 : index
        %get3A_919 = tpu.vector_load %arg14[%get3A_918] {strides = array<i32>} : memref<256xf32, #tpu.memory_space<vmem>>, vector<16xf32>,
        %add3A_920 = arith.addf %add3A_917, %get3A_919 : vector<16xf32>
        %get3A_921 = arith.constant 208 : index
        %get3A_922 = tpu.vector_load %arg14[%get3A_921] {strides = array<i32>} : memref<256xf32, #tpu.memory_space<vmem>>, vector<16xf32>,
        %add3A_923 = arith.addf %add3A_920, %get3A_922 : vector<16xf32>
        %get3A_924 = arith.constant 224 : index
        %get3A_925 = tpu.vector_load %arg14[%get3A_924] {strides = array<i32>} : memref<256xf32, #tpu.memory_space<vmem>>, vector<16xf32>,
        %add3A_926 = arith.addf %add3A_923, %get3A_925 : vector<16xf32>
        %get3A_927 = arith.constant 240 : index
        %get3A_928 = tpu.vector_load %arg14[%get3A_927] {strides = array<i32>} : memref<256xf32, #tpu.memory_space<vmem>>, vector<16xf32>,
        %add3A_929 = arith.addf %add3A_926, %get3A_928 : vector<16xf32>
        %add3A_930 = arith.addi %mul3A_24, %mul3A_50 : i32
        %swap3A = arith.index_cast %add3A_930 : i32 to index
        %swap3A_931 = tpu.vector_load %arg12[%swap3A] {strides = array<i32>} : memref<10000xf32, #tpu.memory_space<vmem>>, vector<16xf32>,
        tpu.vector_store %arg12[%swap3A], %add3A_929 {strides = array<i32>} : memref<10000xf32, #tpu.memory_space<vmem>>, vector<16xf32>,
        %scan3A_932 = arith.constant 0 : i32
        scf.yield %scan3A_932 : i32
      }
      %scan3A_45 = arith.constant 5 : i32
      %scan3A_46 = arith.constant 0 : i32
      scf.yield %scan3A_46 : i32
    }
    %scan3A_20 = arith.constant 125 : i32
    "tpu.region"() ({
      %run_scoped3A = tpu.sem_alloc : memref<!tpu.dma_semaphore, #tpu.memory_space<semaphore_mem>>
      %dma_start3A = tpu.memref_slice %arg7[%mul3A_2] : memref<320000xf32, #tpu.memory_space<hbm>> -> memref<10000xf32, #tpu.memory_space<hbm>>
      %dma_start3A_21 = tpu.memref_slice %arg7[%mul3A_2] : memref<320000xf32, #tpu.memory_space<hbm>> -> memref<10000xf32, #tpu.memory_space<hbm>>
      tpu.enqueue_dma source(%arg12 : memref<10000xf32, #tpu.memory_space<vmem>>) target(%dma_start3A_21 : memref<10000xf32, #tpu.memory_space<hbm>>) target_semaphore(%run_scoped3A : memref<!tpu.dma_semaphore, #tpu.memory_space<semaphore_mem>>)
      %dma_wait3A = tpu.memref_slice %arg7[%mul3A_2] : memref<320000xf32, #tpu.memory_space<hbm>> -> memref<10000xf32, #tpu.memory_space<hbm>>
      %dma_wait3A_22 = tpu.memref_slice %arg7[%mul3A_2] : memref<320000xf32, #tpu.memory_space<hbm>> -> memref<10000xf32, #tpu.memory_space<hbm>>
      tpu.wait_dma2 semaphore(%run_scoped3A : memref<!tpu.dma_semaphore, #tpu.memory_space<semaphore_mem>>) src(%arg12 : memref<10000xf32, #tpu.memory_space<vmem>>) dst(%dma_wait3A_22 : memref<10000xf32, #tpu.memory_space<hbm>>)
      tpu.yield
    }) : () -> ()
    return
  }
}

module attributes {stable_mosaic.version = 14 : i64} {
  func.func @_tables_body(%arg0: memref<10000x128xf32, #tpu.memory_space<vmem>>, %arg1: memref<64x256xf32, #tpu.memory_space<vmem>>, %arg2: memref<1x64xf32, #tpu.memory_space<vmem>>, %arg3: memref<10000x64xf32, #tpu.memory_space<vmem>>, %arg4: memref<10000x64xf32, #tpu.memory_space<vmem>>) attributes {dimension_semantics = [], scalar_prefetch = 0 : i64, scratch_operands = 0 : i64, tpu.core_type = #tpu.core_type<tc>} {
    %get3A = arith.constant 0 : index
    %get3A_0 = arith.constant 0 : index
    %get3A_1 = vector.load %arg0[%get3A, %get3A_0] : memref<10000x128xf32, #tpu.memory_space<vmem>>, vector<10000x128xf32>
    %get3A_2 = arith.constant 0 : index
    %get3A_3 = arith.constant 0 : index
    %get3A_4 = vector.load %arg1[%get3A_2, %get3A_3] : memref<64x256xf32, #tpu.memory_space<vmem>>, vector<64x256xf32>
    %slice3A = vector.extract_strided_slice %get3A_4 {offsets = [0, 0], sizes = [64, 128], strides = [1, 1]} : vector<64x256xf32> to vector<64x128xf32>
    %dot_general3A = arith.constant dense<0.000000e+00> : vector<10000x64xf32>
    %dot_general3A_5 = tpu.matmul %get3A_1, %slice3A, %dot_general3A {dimension_numbers = #tpu.dot_dimension_numbers<[1], [1], [0], [0], [0, 0, 1, 0], [], []>, transpose_lhs_hint = false} : vector<10000x128xf32>, vector<64x128xf32>, vector<10000x64xf32> -> vector<10000x64xf32>
    %slice3A_6 = vector.extract_strided_slice %get3A_4 {offsets = [0, 128], sizes = [64, 128], strides = [1, 1]} : vector<64x256xf32> to vector<64x128xf32>
    %dot_general3A_7 = arith.constant dense<0.000000e+00> : vector<10000x64xf32>
    %dot_general3A_8 = tpu.matmul %get3A_1, %slice3A_6, %dot_general3A_7 {dimension_numbers = #tpu.dot_dimension_numbers<[1], [1], [0], [0], [0, 0, 1, 0], [], []>, transpose_lhs_hint = false} : vector<10000x128xf32>, vector<64x128xf32>, vector<10000x64xf32> -> vector<10000x64xf32>
    %swap3A = arith.constant 0 : index
    %swap3A_9 = arith.constant 0 : index
    %swap3A_10 = vector.load %arg3[%swap3A, %swap3A_9] : memref<10000x64xf32, #tpu.memory_space<vmem>>, vector<10000x64xf32>
    tpu.vector_store %arg3[%swap3A, %swap3A_9], %dot_general3A_5 {strides = array<i32>} : memref<10000x64xf32, #tpu.memory_space<vmem>>, vector<10000x64xf32>,
    %get3A_11 = arith.constant 0 : index
    %get3A_12 = arith.constant 0 : index
    %get3A_13 = vector.load %arg2[%get3A_11, %get3A_12] : memref<1x64xf32, #tpu.memory_space<vmem>>, vector<1x64xf32>
    %add3A = vector.broadcast %get3A_13 : vector<1x64xf32> to vector<10000x64xf32>
    %add3A_14 = arith.addf %dot_general3A_8, %add3A : vector<10000x64xf32>
    %swap3A_15 = arith.constant 0 : index
    %swap3A_16 = arith.constant 0 : index
    %swap3A_17 = vector.load %arg4[%swap3A_15, %swap3A_16] : memref<10000x64xf32, #tpu.memory_space<vmem>>, vector<10000x64xf32>
    tpu.vector_store %arg4[%swap3A_15, %swap3A_16], %add3A_14 {strides = array<i32>} : memref<10000x64xf32, #tpu.memory_space<vmem>>, vector<10000x64xf32>,
    return
  }
}

</mosaic_0001>

<sc_bundles>
// kernel: kernel.4.cloned.1.call-start
scs
__scs_entry_jumppad:
0x0: {  	(pc) =	sbr.rel $0x88, $3  }
0x1: {  	(tag) =	ssettag $0x0;
	lr =	simm.s32 $0x1  }
0x2: {  	[smem:$0x3F9B] =	sst lr;
	_ =	strace $0xD0000000  }
0x3: {  	_ = 	snop  }
0x4: {  	_ = 	snop  }
0x5: {  	_ = 	snop  }
0x6: {  	_ = 	snop  }
0x7: {  	_ = 	snop  }
__scs_overlays_trampoline_lowered:
0x8: {  	[smem:$0x3FAA] =	sst s0  }
0x9: {  	[smem:$0x3FAB] =	sst s1  }
0xa: {  	[smem:$0x3FAC] =	sst s2  }
0xb: {  	[smem:$0x3FAD] =	sst s3  }
0xc: {  	[smem:$0x3FAE] =	sst s4  }
0xd: {  	[smem:$0x3FAF] =	sst s5  }
0xe: {  	[smem:$0x3FB0] =	sst s6  }
0xf: {  	[smem:$0x3FB1] =	sst s7  }
0x10: {  	[smem:$0x3FB2] =	sst s8  }
0x11: {  	[smem:$0x3FB3] =	sst s9;
	s0 =	simm.s32 @!p0 $0x0  }
0x12: {  	s1 =	sld [smem:$0x3F99];
	s0 =	simm.s32 @p0 $0x1  }
0x13: {  	[smem:$0x3FB4] =	sst s0;
	s0 =	simm.s32 @!p1 $0x0  }
0x14: {  	s2 =	sld [smem:$0x3F98];
	s0 =	simm.s32 @p1 $0x1  }
0x15: {  	[smem:$0x3FB5] =	sst s0;
	s0 =	simm.s32 @!p2 $0x0  }
0x16: {  	s3 =	sld [smem:$0x3FDB];
	s0 =	simm.s32 @p2 $0x1  }
0x17: {  	s4 =	simm.s32 $0x1BF5;
	[smem:$0x3FB7] =	sst s0  }
0x18: {  	s0 =	sld [smem:$0x3F9A];
	_ =	swait.ge [sflag:s4], $0x0  }
0x19: {  	s7 =	sld [smem:$0x3F9B]  }
0x1a: {  	s8 =	sadd.s32 $0xFFFFE003, lr  }
0x1b: {  	s9 =	sadd.s32 $0xFFFFFEF7, lr;
	s5 =	simm.s32 $0xFFFFFFFF;
	p2 =	slt.u32 s8, $0xFFFFF086  }
0x1c: {  	p1 =	slt.u32 s9, $0xF7A;
	s5 =	simm.s32 @!p2 $0x0  }
0x1d: {  	s5 =	simm.s32 @p1 $0x1;
	p0 =	seq.s32 s7, s2  }
0x1e: {  	s7 =	smul.u32 @!p0 $0xF7A, s2;
	p2 =	seq.s32 @!p0 s5, $0x0  }
0x1f: {  	s9 =	smul.u32 $0xF7A, s1;
	s8 =	simm.s32 @!p0 $0x1BF5;
	p2 =	por !p2, p0  }
0x20: {  	[sflag:s8] =	ssyncset.s32 @!p0 $0xFFFFF086;
	s6 =	sadd.s32 @!p0 s3, s7;
	s7 =	simm.s32 @!p0 $0x108  }
0x21: {  	s3 =	sadd.s32 s3, s9;
	s6 =	sadd.s32 @!p0 $0x88, s6;
	s7 =	simm.s32 @p2 $0x1082  }
0x22: {  	[simem:s7], [sflag:s8] =	dma.local @!p0 [hbm:s6], $0xF7A  }
0x23: {  	s9 =	sor.u32 $0xD0000000, s2;
	s6 =	simm.s32 $0x108;
	_ =	swait.ge @!p0 [sflag:s8], $0x0  }
0x24: {  	s3 =	sadd.s32 $0x88, s3;
	s6 =	simm.s32 @!p1 $0x1082;
	[sflag:s4] =	ssyncset.s32 $0xFFFFF086  }
0x25: {  	[simem:s6], [sflag:s4] =	dma.local [hbm:s3], $0xF7A  }
0x26: {  	[smem:$0x3F9B] =	sst s1;
	(tag) =	ssettag s2;
	_ =	strace s9  }
0x27: {  	s1 =	sld [smem:$0x3FAB]  }
0x28: {  	s2 =	sld [smem:$0x3FAC]  }
0x29: {  	s4 =	sld [smem:$0x3FAE]  }
0x2a: {  	p0 =	seq.s32 s5, $0x0;
	s5 =	sld [smem:$0x3FAF]  }
0x2b: {  	s6 =	sld [smem:$0x3FB0]  }
0x2c: {  	s7 =	sld [smem:$0x3FB1]  }
0x2d: {  	s3 =	simm.s32 $0x108;
	s8 =	sld [smem:$0x3FB2]  }
0x2e: {  	s3 =	simm.s32 @!p0 $0x1082;
	s9 =	sld [smem:$0x3FB3]  }
0x2f: {  	lr =	sadd.s32 s0, s3;
	s0 =	sld [smem:$0x3FAA]  }
0x30: {  	s3 =	sld [smem:$0x3FAD]  }
0x31: {  	[smem:$0x3FB6] =	sst s10  }
0x32: {  	s10 =	sld [smem:$0x3FB4];
	_ =	sdelay $0x3  }
0x33: {  	p0 =	seq.s32 s10, $0x1;
	s10 =	sld [smem:$0x3FB6];
	_ =	sdelay $0x3  }
0x34: {  	[smem:$0x3FB6] =	sst s10  }
0x35: {  	s10 =	sld [smem:$0x3FB5];
	_ =	sdelay $0x3  }
0x36: {  	p1 =	seq.s32 s10, $0x1;
	s10 =	sld [smem:$0x3FB6];
	_ =	sdelay $0x3  }
0x37: {  	[smem:$0x3FB6] =	sst s10  }
0x38: {  	s10 =	sld [smem:$0x3FB7]  }
0x39: {  	_ = 	snop;
	(pc) =	sbr.ind lr, $3  }
0x3a: {  	_ = 	snop  }
0x3b: {  	_ = 	snop  }
0x3c: {  	p2 =	seq.s32 s10, $0x1;
	s10 =	sld [smem:$0x3FB6]  }
0x3d: {  	_ =	shalt  }
0x3e: {  	_ =	shalt  }
0x3f: {  	_ =	shalt  }
0x40: {  	_ =	shalt  }
0x41: {  	_ =	shalt  }
0x42: {  	_ =	shalt  }
0x43: {  	_ =	shalt  }
0x44: {  	_ =	shalt  }
0x45: {  	_ =	shalt  }
0x46: {  	_ =	shalt  }
0x47: {  	_ =	shalt  }
0x48: {  	_ =	shalt  }
0x49: {  	_ =	shalt  }
0x4a: {  	_ =	shalt  }
0x4b: {  	_ =	shalt  }
0x4c: {  	_ =	shalt  }
0x4d: {  	_ =	shalt  }
0x4e: {  	_ =	shalt  }
0x4f: {  	_ =	shalt  }
0x50: {  	_ =	shalt  }
0x51: {  	_ =	shalt  }
0x52: {  	_ =	shalt  }
0x53: {  	_ =	shalt  }
0x54: {  	_ =	shalt  }
0x55: {  	_ =	shalt  }
0x56: {  	_ =	shalt  }
0x57: {  	_ =	shalt  }
0x58: {  	_ =	shalt  }
0x59: {  	_ =	shalt  }
0x5a: {  	_ =	shalt  }
0x5b: {  	_ =	shalt  }
0x5c: {  	_ =	shalt  }
0x5d: {  	_ =	shalt  }
0x5e: {  	_ =	shalt  }
0x5f: {  	_ =	shalt  }
0x60: {  	_ =	shalt  }
0x61: {  	_ =	shalt  }
0x62: {  	_ =	shalt  }
0x63: {  	_ =	shalt  }
0x64: {  	_ =	shalt  }
0x65: {  	_ =	shalt  }
0x66: {  	_ =	shalt  }
0x67: {  	_ =	shalt  }
0x68: {  	_ =	shalt  }
0x69: {  	_ =	shalt  }
0x6a: {  	_ =	shalt  }
0x6b: {  	_ =	shalt  }
0x6c: {  	_ =	shalt  }
0x6d: {  	_ =	shalt  }
0x6e: {  	_ =	shalt  }
0x6f: {  	_ =	shalt  }
0x70: {  	_ =	shalt  }
0x71: {  	_ =	shalt  }
0x72: {  	_ =	shalt  }
0x73: {  	_ =	shalt  }
0x74: {  	_ =	shalt  }
0x75: {  	_ =	shalt  }
0x76: {  	_ =	shalt  }
0x77: {  	_ =	shalt  }
0x78: {  	_ =	shalt  }
0x79: {  	_ =	shalt  }
0x7a: {  	_ =	shalt  }
0x7b: {  	_ =	shalt  }
0x7c: {  	_ =	shalt  }
0x7d: {  	_ =	shalt  }
0x7e: {  	_ =	shalt  }
0x7f: {  	_ =	shalt  }
0x80: {  	_ =	shalt  }
0x81: {  	_ =	shalt  }
0x82: {  	_ =	shalt  }
0x83: {  	_ =	shalt  }
0x84: {  	_ =	shalt  }
0x85: {  	_ =	shalt  }
0x86: {  	_ =	shalt  }
0x87: {  	_ =	shalt  }
.Lfunc_end0:
.L_simem_size_0:
called_computation_lowered:
.L_overlay_start_0:
0x88: {  	s2 =	sld [smem:$0x3FD9]  }
0x89: {  	s3 =	sld [smem:$0x3FFE];
	_ =	sdelay $0x1  }
0x8a: {  	s1 =	srdreg.scid  }
0x8b: {  	s0 =	sand.u32 $0x1, s1  }
0x8c: {  	s17 =	sshll.u32 s0, $0xA;
	s2 =	sadd.s32 s3, s2  }
0x8d: {  	s2 =	sadd.s32 s2, s17  }
0x8e: {  	[smem:$0x3FC2] =	sst s2  }
0x8f: {  	_ = 	snop  }
0x90: {  	s2 =	sld [smem:$0x3FD0];
	(tm) =	ssettm $0x1  }
0x91: {  	s18 =	sld [smem:$0x3FFB];
	_ =	sdelay $0x3  }
0x92: {  	_ =	strace s18  }
0x93: {  	s3 =	sld [smem:$0x3FFC];
	_ =	sdelay $0x3  }
0x94: {  	_ =	strace s3  }
0x95: {  	s3 =	sld [smem:$0x3FFD];
	_ =	sdelay $0x3  }
0x96: {  	_ =	strace s3  }
0x97: {  	_ =	strace $0x8FFFFFFF  }
0x98: {  	s19 =	sld [smem:$0x3FDB];
	_ =	sdelay $0x1  }
0x99: {  	s4 =	simm.s32 $_scs_section_size  }
0x9a: {  	s5 =	simm.s32 $_size__tile_overlayer_lowered;
	s6 =	simm.s32 $_tile_overlayer_lowered  }
0x9b: {  	s22 =	simm.s32 $0x1BFF;
	s21 =	sshll.u32 s6, $0x1;
	s3 =	sadd.s32 s4, s19  }
0x9c: {  	s7 =	simm.s32 $0x0;
	s20 =	sshll.u32 s5, $0x1;
	s5 =	sadd.s32 s21, s3  }
0x9d: {  	[timem:s7], [sflag:s22] =	dma.local [hbm:s5], s20  }
0x9e: {  	_ =	swait.ge [sflag:s22], s20  }
0x9f: {  	s4 =	ssub.s32 $0x0, s20;
	[sflag:s22] =	ssyncset.done $0x0  }
0xa0: {  	[sflag:s22] =	ssyncadd.s32 s4;
	_ =	sdelay $0x1  }
0xa1: {  	s23 =	simm.s32 $0x1B8B  }
0xa2: {  	_ =	swait.ge [sflag:s23], $0x1  }
0xa3: {  	[sflag:s23] =	ssyncset.done $0x0  }
0xa4: {  	s25 =	simm.s32 $0x1B8E;
	s24 =	sld [smem:$0x3FFE];
	[sflag:s23] =	ssyncadd.s32 $0xFFFFFFFF  }
0xa5: {  	s26 =	simm.s32 $execute0_lowered;
	[smem:$0x3FD2] =	sst s25  }
0xa6: {  	s5 =	sshll.u32 s26, $0x1;
	_ =	strace $0x80000046;
	[dreg:$0x1] =	wrdreg $0xFFFFFFFF  }
0xa7: {  	s28 =	simm.s32 $_size_execute0_lowered;
	s3 =	sadd.s32 s3, s5;
	[dreg:$0x0] =	wrdreg $0x0  }
0xa8: {  	s5 =	sshll.u32 s28, $0x1;
	[dreg:$0x2] =	wrdreg s3  }
0xa9: {  	[dreg:$0x3] =	wrdreg s5  }
0xaa: {  	[dreg:$0x4] =	wrdreg $0xC0  }
0xab: {  	_ =	task [dreg:s7], $0x5FFFF  }
0xac: {  	[dreg:$0x1] =	wrdreg $0xFFFFFFFF  }
0xad: {  	[dreg:$0x0] =	wrdreg $0x60  }
0xae: {  	[dreg:$0x2] =	wrdreg s24  }
0xaf: {  	[dreg:$0x3] =	wrdreg s2  }
0xb0: {  	[dreg:$0x4] =	wrdreg $0x9  }
0xb1: {  	_ =	task.clear_ibuf [dreg:s7], $0x5FFFF;
	_ =	strace $0x90000046  }
0xb2: {  	s29 =	simm.s32 $0x9;
	_ =	strace $0x80000048  }
0xb3: {  	_ =	swait.ge [sflag:s29], $0x1  }
0xb4: {  	[sflag:s29] =	ssyncadd.s32 $0xFFFFFFFF  }
0xb5: {  	_ =	strace $0x90000048  }
0xb6: {  	_ =	sfence  }
0xb7: {  	s30 =	sld [smem:$0x0];
	_ =	sdelay $0x2  }
0xb8: {  	s31 =	sshll.u32 s1, $0xD;
	s1 =	sshrl.u32 s1, $0x2  }
0xb9: {  	s3 =	sand.u32 $0x4000, s31;
	s1 =	sadd.s32 s1, s30  }
0xba: {  	s0 =	sor.u32 s3, s0;
	s1 =	sshll.u32 s1, $0x11  }
0xbb: {  	s0 =	sor.u32 s1, s0  }
0xbc: {  	s0 =	sadd.s32 $0x8F2B, s0  }
0xbd: {  	[sflag:s0] =	ssyncadd.remote.s32 $0x1  }
0xbe: {  	_ =	sfence.sel $0xFFFF  }
0xbf: {  	[dreg:$0x0] =	wrdreg $0xFFFFFFFF;
	(pc) =	sbr.abs _section_cstart, $3  }
0xc0: {  	[dreg:$0x1] =	wrdreg $0xFFFFFFFF  }
0xc1: {  	_ =	task.clear_ibuf [dreg:s7], $0x2FFFF;
	_ =	strace $0x9FFFFFFF  }
0xc2: {  	(tm) =	ssettm $0x7FFFFFFF  }
0xc3: {  	_ =	shalt  }
tec
execute0_lowered:
.L_overlay_start_1:
0x0: {  	(tag) =	ssettag $0x1  }
0x1: {  	s5 =	rddreg [dreg:$0x0]  }
0x2: {  	s8 =	rddreg [dreg:$0x1]  }
0x3: {  	s0 =	rddreg [dreg:$0x2]  }
0x4: {  	s3 =	srdreg.scid;
	s1 =	stileid.u32;
	s2 =	simm.s32 $0x0  }
0x5: {  	s11 =	simm.s32 $0x2;
	s12 =	simm.s32 $0x2710;
	s13 =	simm.s32 $0x50  }
0x6: {  	v0 =	vlaneseq.u32;
	s14 =	simm.s32 $0x4E20;
	s15 =	simm.s32 $0x1;
	s16 =	simm.s32 $0x6220  }
0x7: {  	s17 =	simm.s32 $0x9D80;
	s6 =	sand.u32 $0x1, s3;
	s31 =	sshll.u32 s1, $0x1;
	v0 =	vmul.u32 $0x10, v0  }
0x8: {  	s18 =	simm.s32 $0x7620;
	s19 =	simm.s32 $0x0;
	s3 =	sor.u32 s6, s31  }
0x9: {  	[smem:$0x7FF] =	sst s2;
	s6 =	ssub.s32 $0x2, s6;
	s9 =	smul.u32 $0x4E2, s3;
	v1 =	vor.u32 $0x1, v0;
	v2 =	vor.u32 $0x2, v0;
	v3 =	vor.u32 $0x3, v0  }
0xa: {  	s4 =	sadd.s32 $0x800, s5;
	_ =	strace $0x80000047;
	s10 =	sshrl.u32 s6, $0x1;
	v4 =	vor.u32 $0x4, v0;
	v5 =	vor.u32 $0x5, v0;
	v6 =	vor.u32 $0x6, v0  }
0xb: {  	s3 =	sadd.s32 $0x14200, s5;
	v7 =	vor.u32 $0x7, v0;
	v8 =	vor.u32 $0x8, v0;
	v9 =	vor.u32 $0x9, v0;
	s10 =	ssub.s32 s6, s10;
	s7 =	sadd.s32 s9, s5  }
0xc: {  	v10 =	vor.u32 $0xA, v0;
	v11 =	vor.u32 $0xB, v0;
	v12 =	vor.u32 $0xC, v0;
	s5 =	sadd.s32 $0x3B800, s5;
	s8 =	sadd.s32 s8, s9;
	s9 =	smax.u32 s10, $0x1  }
0xd: {  	v13 =	vor.u32 $0xD, v0;
	v14 =	vor.u32 $0xE, v0;
	v15 =	vor.u32 $0xF, v0;
	s10 =	simm.s32 $0x9D30;
	s6 =	sadd.s32 $0x31A00, s7;
	s7 =	sadd.s32 $0x27C00, s7  }
.LBB2_1:
0xe: {  	[tilespmem:s10], [sflag:$0x2] =	stream.linear.gather [hbm4b:s5+s2], $0x50, $0x38;
	[tilespmem:$0x9E80] =	vst v63  }
0xf: {  	_ =	swait.ge [sflag:s11], $0x50  }
0x10: {  	[sflag:s11] =	ssyncset.done $0x0  }
0x11: {  	[sflag:s11] =	ssyncadd.s32 $0xFFFFFFB0  }
0x12: {  	[tilespmem:s2], [sflag:$0x2] =	stream.linear.gather [hbm4b:s6+s2], $0x2710, $0x38;
	[tilespmem:$0x9E80] =	vst v63  }
0x13: {  	_ =	swait.ge [sflag:s11], $0x2710  }
0x14: {  	[sflag:s11] =	ssyncset.done $0x0  }
0x15: {  	[sflag:s11] =	ssyncadd.s32 $0xFFFFD8F0  }
0x16: {  	[tilespmem:s12], [sflag:$0x2] =	stream.linear.gather [hbm4b:s7+s2], $0x2710, $0x38;
	[tilespmem:$0x9E80] =	vst v63  }
0x17: {  	_ =	swait.ge [sflag:s11], $0x2710  }
0x18: {  	[sflag:s11] =	ssyncset.done $0x0  }
0x19: {  	[sflag:s11] =	ssyncadd.s32 $0xFFFFD8F0  }
0x1a: {  	v16 =	vld [tilespmem:$0x9D30]  }
0x1b: {  	v17 =	vld [tilespmem:$0x9D40]  }
0x1c: {  	v18 =	vld [tilespmem:$0x9D50]  }
0x1d: {  	v19 =	vld [tilespmem:$0x9D60]  }
0x1e: {  	s20 =	simm.s32 $0x7620;
	s21 =	simm.s32 $0x0;
	v20 =	vld [tilespmem:$0x9D70]  }
.LBB2_2:
0x1f: {  	s22 =	smul.u32 $0x50, s21;
	_ =	sdelay $0x1  }
0x20: {  	[tilespmem:s14], [sflag:$0x1] =	stream.indirect.gather [hbm4b:s3+s13], $0x40, s22, s13, $0xb8;
	[tilespmem:$0x9E80] =	vst v63  }
0x21: {  	_ =	swait.ge [sflag:s15], $0x1400  }
0x22: {  	[sflag:s15] =	ssyncset.done $0x0  }
0x23: {  	s22 =	sadd.s32 $0x2710, s22;
	[sflag:s15] =	ssyncadd.s32 $0xFFFFEC00  }
0x24: {  	[tilespmem:s16], [sflag:$0x1] =	stream.indirect.gather [hbm4b:s4+s13], $0x40, s22, s13, $0xb8;
	[tilespmem:$0x9E80] =	vst v63  }
0x25: {  	_ =	swait.ge [sflag:s15], $0x1400  }
0x26: {  	[sflag:s15] =	ssyncset.done $0x0  }
0x27: {  	s23 =	smov.u32 s20;
	s22 =	simm.s32 $0xFC0;
	[sflag:s15] =	ssyncadd.s32 $0xFFFFEC00  }
.LBB2_3:
0x28: {  	s24 =	sshra.s32 s22, $0x2  }
0x29: {  	v21 =	vld [tilespmem:s24+$0x4A30]  }
0x2a: {  	v22 =	vld [tilespmem:s24+$0x5E30]  }
0x2b: {  	v23 =	vld [tilespmem:s24+$0x4A40]  }
0x2c: {  	v24 =	vld [tilespmem:s24+$0x5E40]  }
0x2d: {  	v25 =	vld [tilespmem:s24+$0x4A50]  }
0x2e: {  	v26 =	vld [tilespmem:s24+$0x5E50]  }
0x2f: {  	v27 =	vld [tilespmem:s24+$0x4A60]  }
0x30: {  	v28 =	vld [tilespmem:s24+$0x5E60]  }
0x31: {  	v21 =	vadd.f32 v22, v21;
	v22 =	vadd.f32 v24, v23;
	_ =	sdelay $0x1  }
0x32: {  	v23 =	vadd.f32 v26, v25;
	v21 =	vmax.f32 v21, $0.0e+00;
	v22 =	vmax.f32 v22, $0.0e+00  }
0x33: {  	v21 =	vmul.f32 v21, v16;
	v22 =	vmul.f32 v22, v17  }
0x34: {  	v32 =	vadd.f32 v28, v27;
	v23 =	vmax.f32 v23, $0.0e+00  }
0x35: {  	v21 =	vadd.f32 v22, v21;
	v22 =	vmul.f32 v23, v18  }
0x36: {  	v23 =	vmax.f32 v32, $0.0e+00  }
0x37: {  	v21 =	vadd.f32 v22, v21;
	v22 =	vmul.f32 v23, v19;
	_ =	sdelay $0x1  }
0x38: {  	v21 =	vadd.f32 v22, v21;
	_ =	sdelay $0x1  }
0x39: {  	[tilespmem:v0+s17+$0x0] =	vst.idx.msk $0xffff, v21  }
0x3a: {  	v21 =	vld [tilespmem:s24+$0x4A70]  }
0x3b: {  	v22 =	vld [tilespmem:s24+$0x5E70]  }
0x3c: {  	v23 =	vld [tilespmem:s24+$0x4A80]  }
0x3d: {  	v33 =	vld [tilespmem:s24+$0x5E80]  }
0x3e: {  	v34 =	vld [tilespmem:s24+$0x4A90]  }
0x3f: {  	v35 =	vld [tilespmem:s24+$0x5E90]  }
0x40: {  	v36 =	vld [tilespmem:s24+$0x4AA0]  }
0x41: {  	v37 =	vld [tilespmem:s24+$0x5EA0]  }
0x42: {  	v21 =	vadd.f32 v22, v21;
	v22 =	vadd.f32 v33, v23;
	_ =	sdelay $0x1  }
0x43: {  	v23 =	vadd.f32 v35, v34;
	v21 =	vmax.f32 v21, $0.0e+00;
	v22 =	vmax.f32 v22, $0.0e+00  }
0x44: {  	v21 =	vmul.f32 v21, v16;
	v22 =	vmul.f32 v22, v17  }
0x45: {  	v38 =	vadd.f32 v37, v36;
	v23 =	vmax.f32 v23, $0.0e+00  }
0x46: {  	v21 =	vadd.f32 v22, v21;
	v22 =	vmul.f32 v23, v18  }
0x47: {  	v23 =	vmax.f32 v38, $0.0e+00  }
0x48: {  	v21 =	vadd.f32 v22, v21;
	v22 =	vmul.f32 v23, v19;
	_ =	sdelay $0x1  }
0x49: {  	v21 =	vadd.f32 v22, v21;
	_ =	sdelay $0x1  }
0x4a: {  	[tilespmem:v1+s17+$0x0] =	vst.idx.msk $0xffff, v21  }
0x4b: {  	v21 =	vld [tilespmem:s24+$0x4AB0]  }
0x4c: {  	v22 =	vld [tilespmem:s24+$0x5EB0]  }
0x4d: {  	v23 =	vld [tilespmem:s24+$0x4AC0]  }
0x4e: {  	v39 =	vld [tilespmem:s24+$0x5EC0]  }
0x4f: {  	v40 =	vld [tilespmem:s24+$0x4AD0]  }
0x50: {  	v41 =	vld [tilespmem:s24+$0x5ED0]  }
0x51: {  	v42 =	vld [tilespmem:s24+$0x4AE0]  }
0x52: {  	v43 =	vld [tilespmem:s24+$0x5EE0]  }
0x53: {  	v21 =	vadd.f32 v22, v21;
	v22 =	vadd.f32 v39, v23;
	_ =	sdelay $0x1  }
0x54: {  	v23 =	vadd.f32 v41, v40;
	v21 =	vmax.f32 v21, $0.0e+00;
	v22 =	vmax.f32 v22, $0.0e+00  }
0x55: {  	v21 =	vmul.f32 v21, v16;
	v22 =	vmul.f32 v22, v17  }
0x56: {  	v44 =	vadd.f32 v43, v42;
	v23 =	vmax.f32 v23, $0.0e+00  }
0x57: {  	v21 =	vadd.f32 v22, v21;
	v22 =	vmul.f32 v23, v18  }
0x58: {  	v23 =	vmax.f32 v44, $0.0e+00  }
0x59: {  	v21 =	vadd.f32 v22, v21;
	v22 =	vmul.f32 v23, v19;
	_ =	sdelay $0x1  }
0x5a: {  	v21 =	vadd.f32 v22, v21;
	_ =	sdelay $0x1  }
0x5b: {  	[tilespmem:v2+s17+$0x0] =	vst.idx.msk $0xffff, v21  }
0x5c: {  	v21 =	vld [tilespmem:s24+$0x4AF0]  }
0x5d: {  	v22 =	vld [tilespmem:s24+$0x5EF0]  }
0x5e: {  	v23 =	vld [tilespmem:s24+$0x4B00]  }
0x5f: {  	v45 =	vld [tilespmem:s24+$0x5F00]  }
0x60: {  	v46 =	vld [tilespmem:s24+$0x4B10]  }
0x61: {  	v47 =	vld [tilespmem:s24+$0x5F10]  }
0x62: {  	v48 =	vld [tilespmem:s24+$0x4B20]  }
0x63: {  	v49 =	vld [tilespmem:s24+$0x5F20]  }
0x64: {  	v21 =	vadd.f32 v22, v21;
	v22 =	vadd.f32 v45, v23;
	_ =	sdelay $0x1  }
0x65: {  	v23 =	vadd.f32 v47, v46;
	v21 =	vmax.f32 v21, $0.0e+00;
	v22 =	vmax.f32 v22, $0.0e+00  }
0x66: {  	v21 =	vmul.f32 v21, v16;
	v22 =	vmul.f32 v22, v17  }
0x67: {  	v50 =	vadd.f32 v49, v48;
	v23 =	vmax.f32 v23, $0.0e+00  }
0x68: {  	v21 =	vadd.f32 v22, v21;
	v22 =	vmul.f32 v23, v18  }
0x69: {  	v23 =	vmax.f32 v50, $0.0e+00  }
0x6a: {  	v21 =	vadd.f32 v22, v21;
	v22 =	vmul.f32 v23, v19;
	_ =	sdelay $0x1  }
0x6b: {  	v21 =	vadd.f32 v22, v21;
	_ =	sdelay $0x1  }
0x6c: {  	[tilespmem:v3+s17+$0x0] =	vst.idx.msk $0xffff, v21  }
0x6d: {  	v21 =	vld [tilespmem:s24+$0x4B30]  }
0x6e: {  	v22 =	vld [tilespmem:s24+$0x5F30]  }
0x6f: {  	v23 =	vld [tilespmem:s24+$0x4B40]  }
0x70: {  	v51 =	vld [tilespmem:s24+$0x5F40]  }
0x71: {  	v52 =	vld [tilespmem:s24+$0x4B50]  }
0x72: {  	v53 =	vld [tilespmem:s24+$0x5F50]  }
0x73: {  	v54 =	vld [tilespmem:s24+$0x4B60]  }
0x74: {  	v55 =	vld [tilespmem:s24+$0x5F60]  }
0x75: {  	v21 =	vadd.f32 v22, v21;
	v22 =	vadd.f32 v51, v23;
	_ =	sdelay $0x1  }
0x76: {  	v23 =	vadd.f32 v53, v52;
	v21 =	vmax.f32 v21, $0.0e+00;
	v22 =	vmax.f32 v22, $0.0e+00  }
0x77: {  	v21 =	vmul.f32 v21, v16;
	v22 =	vmul.f32 v22, v17  }
0x78: {  	v56 =	vadd.f32 v55, v54;
	v23 =	vmax.f32 v23, $0.0e+00  }
0x79: {  	v21 =	vadd.f32 v22, v21;
	v22 =	vmul.f32 v23, v18  }
0x7a: {  	v23 =	vmax.f32 v56, $0.0e+00  }
0x7b: {  	v21 =	vadd.f32 v22, v21;
	v22 =	vmul.f32 v23, v19;
	_ =	sdelay $0x1  }
0x7c: {  	v21 =	vadd.f32 v22, v21;
	_ =	sdelay $0x1  }
0x7d: {  	[tilespmem:v4+s17+$0x0] =	vst.idx.msk $0xffff, v21  }
0x7e: {  	v21 =	vld [tilespmem:s24+$0x4B70]  }
0x7f: {  	v22 =	vld [tilespmem:s24+$0x5F70]  }
0x80: {  	v23 =	vld [tilespmem:s24+$0x4B80]  }
0x81: {  	v57 =	vld [tilespmem:s24+$0x5F80]  }
0x82: {  	v58 =	vld [tilespmem:s24+$0x4B90]  }
0x83: {  	v59 =	vld [tilespmem:s24+$0x5F90]  }
0x84: {  	v60 =	vld [tilespmem:s24+$0x4BA0]  }
0x85: {  	v61 =	vld [tilespmem:s24+$0x5FA0]  }
0x86: {  	v21 =	vadd.f32 v22, v21;
	v22 =	vadd.f32 v57, v23;
	_ =	sdelay $0x1  }
0x87: {  	v23 =	vadd.f32 v59, v58;
	v21 =	vmax.f32 v21, $0.0e+00;
	v22 =	vmax.f32 v22, $0.0e+00  }
0x88: {  	v21 =	vmul.f32 v21, v16;
	v22 =	vmul.f32 v22, v17  }
0x89: {  	v62 =	vadd.f32 v61, v60;
	v23 =	vmax.f32 v23, $0.0e+00  }
0x8a: {  	v21 =	vadd.f32 v22, v21;
	v22 =	vmul.f32 v23, v18  }
0x8b: {  	v23 =	vmax.f32 v62, $0.0e+00  }
0x8c: {  	v21 =	vadd.f32 v22, v21;
	v22 =	vmul.f32 v23, v19;
	_ =	sdelay $0x1  }
0x8d: {  	v21 =	vadd.f32 v22, v21;
	_ =	sdelay $0x1  }
0x8e: {  	[tilespmem:v5+s17+$0x0] =	vst.idx.msk $0xffff, v21  }
0x8f: {  	v21 =	vld [tilespmem:s24+$0x4BB0]  }
0x90: {  	v22 =	vld [tilespmem:s24+$0x5FB0]  }
0x91: {  	v23 =	vld [tilespmem:s24+$0x4BC0]  }
0x92: {  	v63 =	vld [tilespmem:s24+$0x5FC0]  }
0x93: {  	v32 =	vld [tilespmem:s24+$0x4BD0]  }
0x94: {  	v33 =	vld [tilespmem:s24+$0x5FD0]  }
0x95: {  	v34 =	vld [tilespmem:s24+$0x4BE0]  }
0x96: {  	v35 =	vld [tilespmem:s24+$0x5FE0]  }
0x97: {  	v21 =	vadd.f32 v22, v21;
	v22 =	vadd.f32 v63, v23;
	_ =	sdelay $0x1  }
0x98: {  	v23 =	vadd.f32 v33, v32;
	v21 =	vmax.f32 v21, $0.0e+00;
	v22 =	vmax.f32 v22, $0.0e+00  }
0x99: {  	v21 =	vmul.f32 v21, v16;
	v22 =	vmul.f32 v22, v17  }
0x9a: {  	v36 =	vadd.f32 v35, v34;
	v23 =	vmax.f32 v23, $0.0e+00  }
0x9b: {  	v21 =	vadd.f32 v22, v21;
	v22 =	vmul.f32 v23, v18  }
0x9c: {  	v23 =	vmax.f32 v36, $0.0e+00  }
0x9d: {  	v21 =	vadd.f32 v22, v21;
	v22 =	vmul.f32 v23, v19;
	_ =	sdelay $0x1  }
0x9e: {  	v21 =	vadd.f32 v22, v21;
	_ =	sdelay $0x1  }
0x9f: {  	[tilespmem:v6+s17+$0x0] =	vst.idx.msk $0xffff, v21  }
0xa0: {  	v21 =	vld [tilespmem:s24+$0x4BF0]  }
0xa1: {  	v22 =	vld [tilespmem:s24+$0x5FF0]  }
0xa2: {  	v23 =	vld [tilespmem:s24+$0x4C00]  }
0xa3: {  	v37 =	vld [tilespmem:s24+$0x6000]  }
0xa4: {  	v38 =	vld [tilespmem:s24+$0x4C10]  }
0xa5: {  	v39 =	vld [tilespmem:s24+$0x6010]  }
0xa6: {  	v40 =	vld [tilespmem:s24+$0x4C20]  }
0xa7: {  	v41 =	vld [tilespmem:s24+$0x6020]  }
0xa8: {  	v21 =	vadd.f32 v22, v21;
	v22 =	vadd.f32 v37, v23;
	_ =	sdelay $0x1  }
0xa9: {  	v23 =	vadd.f32 v39, v38;
	v21 =	vmax.f32 v21, $0.0e+00;
	v22 =	vmax.f32 v22, $0.0e+00  }
0xaa: {  	v21 =	vmul.f32 v21, v16;
	v22 =	vmul.f32 v22, v17  }
0xab: {  	v42 =	vadd.f32 v41, v40;
	v23 =	vmax.f32 v23, $0.0e+00  }
0xac: {  	v21 =	vadd.f32 v22, v21;
	v22 =	vmul.f32 v23, v18  }
0xad: {  	v23 =	vmax.f32 v42, $0.0e+00  }
0xae: {  	v21 =	vadd.f32 v22, v21;
	v22 =	vmul.f32 v23, v19;
	_ =	sdelay $0x1  }
0xaf: {  	v21 =	vadd.f32 v22, v21;
	_ =	sdelay $0x1  }
0xb0: {  	[tilespmem:v7+s17+$0x0] =	vst.idx.msk $0xffff, v21  }
0xb1: {  	v21 =	vld [tilespmem:s24+$0x4C30]  }
0xb2: {  	v22 =	vld [tilespmem:s24+$0x6030]  }
0xb3: {  	v23 =	vld [tilespmem:s24+$0x4C40]  }
0xb4: {  	v43 =	vld [tilespmem:s24+$0x6040]  }
0xb5: {  	v44 =	vld [tilespmem:s24+$0x4C50]  }
0xb6: {  	v45 =	vld [tilespmem:s24+$0x6050]  }
0xb7: {  	v46 =	vld [tilespmem:s24+$0x4C60]  }
0xb8: {  	v47 =	vld [tilespmem:s24+$0x6060]  }
0xb9: {  	v21 =	vadd.f32 v22, v21;
	v22 =	vadd.f32 v43, v23;
	_ =	sdelay $0x1  }
0xba: {  	v23 =	vadd.f32 v45, v44;
	v21 =	vmax.f32 v21, $0.0e+00;
	v22 =	vmax.f32 v22, $0.0e+00  }
0xbb: {  	v21 =	vmul.f32 v21, v16;
	v22 =	vmul.f32 v22, v17  }
0xbc: {  	v48 =	vadd.f32 v47, v46;
	v23 =	vmax.f32 v23, $0.0e+00  }
0xbd: {  	v21 =	vadd.f32 v22, v21;
	v22 =	vmul.f32 v23, v18  }
0xbe: {  	v23 =	vmax.f32 v48, $0.0e+00  }
0xbf: {  	v21 =	vadd.f32 v22, v21;
	v22 =	vmul.f32 v23, v19;
	_ =	sdelay $0x1  }
0xc0: {  	v21 =	vadd.f32 v22, v21;
	_ =	sdelay $0x1  }
0xc1: {  	[tilespmem:v8+s17+$0x0] =	vst.idx.msk $0xffff, v21  }
0xc2: {  	v21 =	vld [tilespmem:s24+$0x4C70]  }
0xc3: {  	v22 =	vld [tilespmem:s24+$0x6070]  }
0xc4: {  	v23 =	vld [tilespmem:s24+$0x4C80]  }
0xc5: {  	v49 =	vld [tilespmem:s24+$0x6080]  }
0xc6: {  	v50 =	vld [tilespmem:s24+$0x4C90]  }
0xc7: {  	v51 =	vld [tilespmem:s24+$0x6090]  }
0xc8: {  	v52 =	vld [tilespmem:s24+$0x4CA0]  }
0xc9: {  	v53 =	vld [tilespmem:s24+$0x60A0]  }
0xca: {  	v21 =	vadd.f32 v22, v21;
	v22 =	vadd.f32 v49, v23;
	_ =	sdelay $0x1  }
0xcb: {  	v23 =	vadd.f32 v51, v50;
	v21 =	vmax.f32 v21, $0.0e+00;
	v22 =	vmax.f32 v22, $0.0e+00  }
0xcc: {  	v21 =	vmul.f32 v21, v16;
	v22 =	vmul.f32 v22, v17  }
0xcd: {  	v54 =	vadd.f32 v53, v52;
	v23 =	vmax.f32 v23, $0.0e+00  }
0xce: {  	v21 =	vadd.f32 v22, v21;
	v22 =	vmul.f32 v23, v18  }
0xcf: {  	v23 =	vmax.f32 v54, $0.0e+00  }
0xd0: {  	v21 =	vadd.f32 v22, v21;
	v22 =	vmul.f32 v23, v19;
	_ =	sdelay $0x1  }
0xd1: {  	v21 =	vadd.f32 v22, v21;
	_ =	sdelay $0x1  }
0xd2: {  	[tilespmem:v9+s17+$0x0] =	vst.idx.msk $0xffff, v21  }
0xd3: {  	v21 =	vld [tilespmem:s24+$0x4CB0]  }
0xd4: {  	v22 =	vld [tilespmem:s24+$0x60B0]  }
0xd5: {  	v23 =	vld [tilespmem:s24+$0x4CC0]  }
0xd6: {  	v55 =	vld [tilespmem:s24+$0x60C0]  }
0xd7: {  	v56 =	vld [tilespmem:s24+$0x4CD0]  }
0xd8: {  	v57 =	vld [tilespmem:s24+$0x60D0]  }
0xd9: {  	v58 =	vld [tilespmem:s24+$0x4CE0]  }
0xda: {  	v59 =	vld [tilespmem:s24+$0x60E0]  }
0xdb: {  	v21 =	vadd.f32 v22, v21;
	v22 =	vadd.f32 v55, v23;
	_ =	sdelay $0x1  }
0xdc: {  	v23 =	vadd.f32 v57, v56;
	v21 =	vmax.f32 v21, $0.0e+00;
	v22 =	vmax.f32 v22, $0.0e+00  }
0xdd: {  	v21 =	vmul.f32 v21, v16;
	v22 =	vmul.f32 v22, v17  }
0xde: {  	v60 =	vadd.f32 v59, v58;
	v23 =	vmax.f32 v23, $0.0e+00  }
0xdf: {  	v21 =	vadd.f32 v22, v21;
	v22 =	vmul.f32 v23, v18  }
0xe0: {  	v23 =	vmax.f32 v60, $0.0e+00  }
0xe1: {  	v21 =	vadd.f32 v22, v21;
	v22 =	vmul.f32 v23, v19;
	_ =	sdelay $0x1  }
0xe2: {  	v21 =	vadd.f32 v22, v21;
	_ =	sdelay $0x1  }
0xe3: {  	[tilespmem:v10+s17+$0x0] =	vst.idx.msk $0xffff, v21  }
0xe4: {  	v21 =	vld [tilespmem:s24+$0x4CF0]  }
0xe5: {  	v22 =	vld [tilespmem:s24+$0x60F0]  }
0xe6: {  	v23 =	vld [tilespmem:s24+$0x4D00]  }
0xe7: {  	v61 =	vld [tilespmem:s24+$0x6100]  }
0xe8: {  	v62 =	vld [tilespmem:s24+$0x4D10]  }
0xe9: {  	v63 =	vld [tilespmem:s24+$0x6110]  }
0xea: {  	v32 =	vld [tilespmem:s24+$0x4D20]  }
0xeb: {  	v33 =	vld [tilespmem:s24+$0x6120]  }
0xec: {  	v21 =	vadd.f32 v22, v21;
	v22 =	vadd.f32 v61, v23;
	_ =	sdelay $0x1  }
0xed: {  	v23 =	vadd.f32 v63, v62;
	v21 =	vmax.f32 v21, $0.0e+00;
	v22 =	vmax.f32 v22, $0.0e+00  }
0xee: {  	v21 =	vmul.f32 v21, v16;
	v22 =	vmul.f32 v22, v17  }
0xef: {  	v34 =	vadd.f32 v33, v32;
	v23 =	vmax.f32 v23, $0.0e+00  }
0xf0: {  	v21 =	vadd.f32 v22, v21;
	v22 =	vmul.f32 v23, v18  }
0xf1: {  	v23 =	vmax.f32 v34, $0.0e+00  }
0xf2: {  	v21 =	vadd.f32 v22, v21;
	v22 =	vmul.f32 v23, v19;
	_ =	sdelay $0x1  }
0xf3: {  	v21 =	vadd.f32 v22, v21;
	_ =	sdelay $0x1  }
0xf4: {  	[tilespmem:v11+s17+$0x0] =	vst.idx.msk $0xffff, v21  }
0xf5: {  	v21 =	vld [tilespmem:s24+$0x4D30]  }
0xf6: {  	v22 =	vld [tilespmem:s24+$0x6130]  }
0xf7: {  	v23 =	vld [tilespmem:s24+$0x4D40]  }
0xf8: {  	v35 =	vld [tilespmem:s24+$0x6140]  }
0xf9: {  	v36 =	vld [tilespmem:s24+$0x4D50]  }
0xfa: {  	v37 =	vld [tilespmem:s24+$0x6150]  }
0xfb: {  	v38 =	vld [tilespmem:s24+$0x4D60]  }
0xfc: {  	v39 =	vld [tilespmem:s24+$0x6160]  }
0xfd: {  	v21 =	vadd.f32 v22, v21;
	v22 =	vadd.f32 v35, v23;
	_ =	sdelay $0x1  }
0xfe: {  	v23 =	vadd.f32 v37, v36;
	v21 =	vmax.f32 v21, $0.0e+00;
	v22 =	vmax.f32 v22, $0.0e+00  }
0xff: {  	v21 =	vmul.f32 v21, v16;
	v22 =	vmul.f32 v22, v17  }
0x100: {  	v40 =	vadd.f32 v39, v38;
	v23 =	vmax.f32 v23, $0.0e+00  }
0x101: {  	v21 =	vadd.f32 v22, v21;
	v22 =	vmul.f32 v23, v18  }
0x102: {  	v23 =	vmax.f32 v40, $0.0e+00  }
0x103: {  	v21 =	vadd.f32 v22, v21;
	v22 =	vmul.f32 v23, v19;
	_ =	sdelay $0x1  }
0x104: {  	v21 =	vadd.f32 v22, v21;
	_ =	sdelay $0x1  }
0x105: {  	[tilespmem:v12+s17+$0x0] =	vst.idx.msk $0xffff, v21  }
0x106: {  	v21 =	vld [tilespmem:s24+$0x4D70]  }
0x107: {  	v22 =	vld [tilespmem:s24+$0x6170]  }
0x108: {  	v23 =	vld [tilespmem:s24+$0x4D80]  }
0x109: {  	v41 =	vld [tilespmem:s24+$0x6180]  }
0x10a: {  	v42 =	vld [tilespmem:s24+$0x4D90]  }
0x10b: {  	v43 =	vld [tilespmem:s24+$0x6190]  }
0x10c: {  	v44 =	vld [tilespmem:s24+$0x4DA0]  }
0x10d: {  	v45 =	vld [tilespmem:s24+$0x61A0]  }
0x10e: {  	v21 =	vadd.f32 v22, v21;
	v22 =	vadd.f32 v41, v23;
	_ =	sdelay $0x1  }
0x10f: {  	v23 =	vadd.f32 v43, v42;
	v21 =	vmax.f32 v21, $0.0e+00;
	v22 =	vmax.f32 v22, $0.0e+00  }
0x110: {  	v21 =	vmul.f32 v21, v16;
	v22 =	vmul.f32 v22, v17  }
0x111: {  	v46 =	vadd.f32 v45, v44;
	v23 =	vmax.f32 v23, $0.0e+00  }
0x112: {  	v21 =	vadd.f32 v22, v21;
	v22 =	vmul.f32 v23, v18  }
0x113: {  	v23 =	vmax.f32 v46, $0.0e+00  }
0x114: {  	v21 =	vadd.f32 v22, v21;
	v22 =	vmul.f32 v23, v19;
	_ =	sdelay $0x1  }
0x115: {  	v21 =	vadd.f32 v22, v21;
	_ =	sdelay $0x1  }
0x116: {  	[tilespmem:v13+s17+$0x0] =	vst.idx.msk $0xffff, v21  }
0x117: {  	v21 =	vld [tilespmem:s24+$0x4DB0]  }
0x118: {  	v22 =	vld [tilespmem:s24+$0x61B0]  }
0x119: {  	v23 =	vld [tilespmem:s24+$0x4DC0]  }
0x11a: {  	v47 =	vld [tilespmem:s24+$0x61C0]  }
0x11b: {  	v48 =	vld [tilespmem:s24+$0x4DD0]  }
0x11c: {  	v49 =	vld [tilespmem:s24+$0x61D0]  }
0x11d: {  	v50 =	vld [tilespmem:s24+$0x4DE0]  }
0x11e: {  	v51 =	vld [tilespmem:s24+$0x61E0]  }
0x11f: {  	v21 =	vadd.f32 v22, v21;
	v22 =	vadd.f32 v47, v23;
	_ =	sdelay $0x1  }
0x120: {  	v23 =	vadd.f32 v49, v48;
	v21 =	vmax.f32 v21, $0.0e+00;
	v22 =	vmax.f32 v22, $0.0e+00  }
0x121: {  	v21 =	vmul.f32 v21, v16;
	v22 =	vmul.f32 v22, v17  }
0x122: {  	v52 =	vadd.f32 v51, v50;
	v23 =	vmax.f32 v23, $0.0e+00  }
0x123: {  	v21 =	vadd.f32 v22, v21;
	v22 =	vmul.f32 v23, v18  }
0x124: {  	v23 =	vmax.f32 v52, $0.0e+00  }
0x125: {  	v21 =	vadd.f32 v22, v21;
	v22 =	vmul.f32 v23, v19;
	_ =	sdelay $0x1  }
0x126: {  	v21 =	vadd.f32 v22, v21;
	_ =	sdelay $0x1  }
0x127: {  	[tilespmem:v14+s17+$0x0] =	vst.idx.msk $0xffff, v21  }
0x128: {  	v21 =	vld [tilespmem:s24+$0x4DF0]  }
0x129: {  	v22 =	vld [tilespmem:s24+$0x61F0]  }
0x12a: {  	v23 =	vld [tilespmem:s24+$0x4E00]  }
0x12b: {  	v53 =	vld [tilespmem:s24+$0x6200]  }
0x12c: {  	v54 =	vld [tilespmem:s24+$0x4E10]  }
0x12d: {  	v55 =	vld [tilespmem:s24+$0x6210]  }
0x12e: {  	v56 =	vld [tilespmem:s24+$0x4E20]  }
0x12f: {  	v57 =	vld [tilespmem:s24+$0x6220]  }
0x130: {  	v21 =	vadd.f32 v22, v21;
	v22 =	vadd.f32 v53, v23;
	_ =	sdelay $0x1  }
0x131: {  	v23 =	vadd.f32 v55, v54;
	v21 =	vmax.f32 v21, $0.0e+00;
	v22 =	vmax.f32 v22, $0.0e+00  }
0x132: {  	v21 =	vmul.f32 v21, v16;
	v22 =	vmul.f32 v22, v17  }
0x133: {  	v58 =	vadd.f32 v57, v56;
	v23 =	vmax.f32 v23, $0.0e+00  }
0x134: {  	v21 =	vadd.f32 v22, v21;
	v22 =	vmul.f32 v23, v18  }
0x135: {  	v23 =	vmax.f32 v58, $0.0e+00  }
0x136: {  	v21 =	vadd.f32 v22, v21;
	v22 =	vmul.f32 v23, v19;
	_ =	sdelay $0x1  }
0x137: {  	v21 =	vadd.f32 v22, v21;
	_ =	sdelay $0x1  }
0x138: {  	[tilespmem:v15+s17+$0x0] =	vst.idx.msk $0xffff, v21  }
0x139: {  	v21 =	vld [tilespmem:$0x9D80];
	_ =	sdelay $0x1  }
0x13a: {  	v22 =	vld [tilespmem:$0x9D90];
	_ =	sdelay $0x1  }
0x13b: {  	v23 =	vld [tilespmem:$0x9DA0]  }
0x13c: {  	v21 =	vadd.f32 v21, v20  }
0x13d: {  	v59 =	vld [tilespmem:$0x9DB0]  }
0x13e: {  	v21 =	vadd.f32 v22, v21  }
0x13f: {  	v22 =	vld [tilespmem:$0x9DC0]  }
0x140: {  	v21 =	vadd.f32 v23, v21  }
0x141: {  	v23 =	vld [tilespmem:$0x9DD0]  }
0x142: {  	v21 =	vadd.f32 v59, v21  }
0x143: {  	v60 =	vld [tilespmem:$0x9DE0]  }
0x144: {  	v21 =	vadd.f32 v22, v21  }
0x145: {  	v22 =	vld [tilespmem:$0x9DF0]  }
0x146: {  	v21 =	vadd.f32 v23, v21  }
0x147: {  	v23 =	vld [tilespmem:$0x9E00]  }
0x148: {  	v21 =	vadd.f32 v60, v21  }
0x149: {  	v61 =	vld [tilespmem:$0x9E10]  }
0x14a: {  	v21 =	vadd.f32 v22, v21  }
0x14b: {  	v22 =	vld [tilespmem:$0x9E20]  }
0x14c: {  	v21 =	vadd.f32 v23, v21  }
0x14d: {  	v23 =	vld [tilespmem:$0x9E30]  }
0x14e: {  	v21 =	vadd.f32 v61, v21  }
0x14f: {  	v62 =	vld [tilespmem:$0x9E40]  }
0x150: {  	v21 =	vadd.f32 v22, v21  }
0x151: {  	v22 =	vld [tilespmem:$0x9E50]  }
0x152: {  	v21 =	vadd.f32 v23, v21  }
0x153: {  	v23 =	vld [tilespmem:$0x9E60]  }
0x154: {  	v21 =	vadd.f32 v62, v21  }
0x155: {  	v63 =	vld [tilespmem:$0x9E70]  }
0x156: {  	v21 =	vadd.f32 v22, v21  }
0x157: {  	p0 =	sne.s32 s22, $0x4FC0  }
.Ltmp0:
0x158: {  	v21 =	vadd.f32 v23, v21;
	(pc) =	sbr.rel @p0 .LBB2_3-.Ltmp0, $3  }
0x159: {  	_ = 	snop  }
0x15a: {  	v21 =	vadd.f32 v63, v21;
	_ =	sdelay $0x1  }
0x15b: {  	s22 =	sadd.s32 $0x1000, s22;
	[tilespmem:s23+$0x0] =	vst v21;
	s23 =	sadd.s32 $0x10, s23  }
0x15c: {  	s21 =	sadd.s32 $0x1, s21  }
0x15d: {  	p0 =	sne.s32 s21, $0x7D  }
.Ltmp1:
0x15e: {  	_ = 	snop;
	(pc) =	sbr.rel @p0 .LBB2_2-.Ltmp1, $2  }
0x15f: {  	_ =	sdelay $0x2  }
0x160: {  	s20 =	sadd.s32 $0x50, s20  }
0x161: {  	s19 =	sadd.s32 $0x1, s19  }
0x162: {  	p0 =	sne.s32 s19, s9  }
.Ltmp2:
0x163: {  	_ = 	snop;
	(pc) =	sbr.rel @p0 .LBB2_1-.Ltmp2, $4  }
0x164: {  	[hbm4b:s8+s2] =	stream.linear.scatter [tilespmem:s18], [sflag:$0x2], $0x2710, $0x38;
	[tilespmem:$0x9E80] =	vst v63  }
0x165: {  	_ =	swait.ge [sflag:s11], $0x2710  }
0x166: {  	[sflag:s11] =	ssyncset.done $0x0  }
0x167: {  	[sflag:s11] =	ssyncadd.s32 $0xFFFFD8F0  }
0x168: {  	_ =	sfence.sel $0x180000  }
0x169: {  	[bflag:$0x0] =	sbarrier.arrive $0xFFFF  }
0x16a: {  	p0 =	sne.s32 s1, $0x0;
	_ =	strace $0x90000047  }
0x16b: {  	s0 =	sadd.s32 @!p0 $0x100000, s0;
	[bflag:$0x2] =	sbarrier.arrive $0xFFFF  }
0x16c: {  	[sflag:s0] =	ssyncadd.tile.s32 @!p0 $0x1;
	_ =	shalt  }
.Lfunc_end2:
_tile_overlayer_lowered:
.L_overlay_start_2:
0x16d: {  	(tag) =	ssettag $0x2  }
0x16e: {  	s0 =	rddreg [dreg:$0x0];
	s2 =	stileid.u32  }
0x16f: {  	s1 =	rddreg [dreg:$0x1];
	p0 =	sne.s32 s2, $0x0  }
0x170: {  	s3 =	rddreg [dreg:$0x2];
	[bflag:$0x3] =	sbarrier.arrive $0xFFFF;
	s2 =	simm.s32 @!p0 $0x1C02  }
0x171: {  	[timem:s3], [sflag:s2] =	dma.local @!p0 [hbm:s0], s1  }
0x172: {  	s0 =	simm.s32 @!p0 $0x2  }
0x173: {  	_ =	swait.ge @!p0 [sflag:s0], s1  }
0x174: {  	s1 =	ssub.s32 @!p0 $0x0, s1;
	[sflag:s0] =	ssyncset.done @!p0 $0x0  }
0x175: {  	[sflag:s0] =	ssyncadd.s32 @!p0 s1  }
0x176: {  	[bflag:$0x3] =	sbarrier.arrive $0xFFFF  }
0x177: {  	_ =	shalt  }

</sc_bundles>
